<compile_context>
chip_gen: v7x
topology: tpu7x:2x2x1
jax: 0.10.2.dev20260603
libtpu: 0.0.44.dev20260713+nightly
codegen_flags: <defaults>
</compile_context>

<pallas_src>
import functools

import jax
import jax.numpy as jnp
from jax import lax
from jax.experimental import pallas as pl
from jax.experimental.pallas import tpu as pltpu
from jax.experimental.pallas import tpu_sc as plsc

F = 128
BN = 512
K = 128


def _sc_edge_pass(h, src, dst, dummy, n_pad, with_deg):
  info = plsc.get_sparse_core_info()
  nc, ns = info.num_cores, info.num_subcores
  nw = nc * ns
  e_pad = src.shape[0]
  epw = e_pad // nw
  nblk = epw // K
  rpt = n_pad // ns
  mesh = plsc.VectorSubcoreMesh(core_axis_name="c", subcore_axis_name="s")

  out_type = [jax.ShapeDtypeStruct((nc * n_pad, F), jnp.float32)]
  if with_deg:
    out_type.append(jax.ShapeDtypeStruct((nc * n_pad,), jnp.float32))

  scratch = [
      pltpu.VMEM((K,), jnp.int32),
      pltpu.VMEM((K,), jnp.int32),
      pltpu.VMEM((K,), jnp.int32),
      pltpu.VMEM((K,), jnp.int32),
      pltpu.VMEM((K, F), jnp.float32),
      pltpu.VMEM((K, F), jnp.float32),
      pltpu.VMEM((K,), jnp.float32),
      pltpu.VMEM((n_pad // 16,), jnp.float32),
      pltpu.VMEM_SHARED((n_pad, F), jnp.float32),
      pltpu.VMEM_SHARED((n_pad,), jnp.float32),
      pltpu.SemaphoreType.DMA,
      pltpu.SemaphoreType.DMA,
      pltpu.SemaphoreType.DMA,
      pltpu.SemaphoreType.DMA,
  ]

  def body(h_hbm, src_hbm, dst_hbm, dummy_hbm, agg_out, *rest):
    if with_deg:
      deg_out = rest[0]
      rest = rest[1:]
    (idx_s0, idx_d0, idx_s1, idx_d1, rows0, rows1, ones, zdeg, agg_sh,
     deg_sh, gsem0, gsem1, ssem0, ssem1) = rest
    idx_s = (idx_s0, idx_s1)
    idx_d = (idx_d0, idx_d1)
    rows = (rows0, rows1)
    gsem = (gsem0, gsem1)
    ssem = (ssem0, ssem1)
    cid = lax.axis_index("c")
    sid = lax.axis_index("s")
    wid = cid * ns + sid

    zv = jnp.zeros((16,), jnp.float32)

    def z16(i, carry):
      rows0[i // 8, pl.ds((i % 8) * 16, 16)] = zv
      return carry

    lax.fori_loop(0, K * (F // 16), z16, 0)
    for t in range(rpt // K):
      pltpu.sync_copy(rows0, agg_sh.at[pl.ds(sid * rpt + t * K, K)])

    if with_deg:
      ov = jnp.ones((16,), jnp.float32)

      def o16(i, carry):
        ones[pl.ds(i * 16, 16)] = ov
        return carry

      lax.fori_loop(0, K // 16, o16, 0)

      def zd16(i, carry):
        zdeg[pl.ds(i * 16, 16)] = zv
        return carry

      lax.fori_loop(0, rpt // 16, zd16, 0)
      pltpu.sync_copy(zdeg, deg_sh.at[pl.ds(sid * rpt, rpt)])

    plsc.subcore_barrier()

    base = wid * epw

    def idx_load(s, off):
      pltpu.sync_copy(src_hbm.at[pl.ds(off, K)], idx_s[s])
      pltpu.sync_copy(dst_hbm.at[pl.ds(off, K)], idx_d[s])

    def gather_start(s):
      pltpu.async_copy(h_hbm.at[idx_s[s]], rows[s], gsem[s])

    def gather_wait(s):
      pltpu.make_async_copy(h_hbm.at[pl.ds(0, K)], rows[s], gsem[s]).wait()

    def scatter_start(s):
      pltpu.async_copy(rows[s], agg_sh.at[idx_d[s]], ssem[s], add=True)
      if with_deg:
        pltpu.async_copy(ones, deg_sh.at[idx_d[s]], ssem[s], add=True)

    def scatter_wait(s):
      pltpu.make_async_copy(h_hbm.at[pl.ds(0, K)], rows[s], ssem[s]).wait()
      if with_deg:
        pltpu.make_async_copy(dummy_hbm, ones, ssem[s]).wait()

    def step(s, off, wait_other, prefetch):
      o = 1 - s
      gather_wait(s)
      scatter_start(s)
      if prefetch:
        if wait_other:
          scatter_wait(o)
        idx_load(o, off + K)
        gather_start(o)

    idx_load(0, base)
    gather_start(0)
    step(0, base, wait_other=False, prefetch=True)

    def pair(p, carry):
      off = base + (2 * p + 1) * K
      step(1, off, wait_other=True, prefetch=True)
      step(0, off + K, wait_other=True, prefetch=True)
      return carry

    pairs = (nblk - 2) // 2
    lax.fori_loop(0, pairs, pair, 0)
    if nblk % 2 == 0:
      step(1, base + (nblk - 1) * K, wait_other=False, prefetch=False)
    else:
      step(1, base + (nblk - 2) * K, wait_other=True, prefetch=True)
      step(0, base + (nblk - 1) * K, wait_other=False, prefetch=False)
    scatter_wait(0)
    scatter_wait(1)
    plsc.subcore_barrier()

    obase = cid * n_pad + sid * rpt
    pltpu.sync_copy(agg_sh.at[pl.ds(sid * rpt, rpt)],
                    agg_out.at[pl.ds(obase, rpt)])
    if with_deg:
      pltpu.sync_copy(deg_sh.at[pl.ds(sid * rpt, rpt)],
                      deg_out.at[pl.ds(obase, rpt)])

  return pl.kernel(body, out_type=tuple(out_type), mesh=mesh,
                   scratch_types=scratch)(h, src, dst, dummy)


def _tc_embed(c_pad, x_pad, w_embed_pad, n_pad):
  def body(c_ref, x_ref, w_ref, o_ref):
    o_ref[...] = jnp.maximum(
        jnp.dot(c_ref[...], w_ref[...], preferred_element_type=jnp.float32)
        + x_ref[...], 0.0)

  return pl.pallas_call(
      body,
      grid=(n_pad // BN,),
      in_specs=[
          pl.BlockSpec((BN, F), lambda i: (i, 0)),
          pl.BlockSpec((BN, F), lambda i: (i, 0)),
          pl.BlockSpec((F, F), lambda i: (0, 0)),
      ],
      out_specs=pl.BlockSpec((BN, F), lambda i: (i, 0)),
      out_shape=jax.ShapeDtypeStruct((n_pad, F), jnp.float32),
  )(c_pad, x_pad, w_embed_pad)


def _tc_layer(h, p0, p1, d0, d1, w_s, w_n, n_pad):

  def body(h_ref, p0_ref, p1_ref, d0_ref, d1_ref, ws_ref, wn_ref,
           o_ref, inv_ref):
    inv = 1.0 / jnp.maximum(d0_ref[...] + d1_ref[...], 1.0)
    agg = (p0_ref[...] + p1_ref[...]) * inv
    acc = jnp.dot(h_ref[...], ws_ref[...], preferred_element_type=jnp.float32)
    acc = acc + jnp.dot(agg, wn_ref[...], preferred_element_type=jnp.float32)
    o_ref[...] = jnp.maximum(acc, 0.0)
    inv_ref[...] = inv

  row = lambda i: (i, 0)
  full = lambda i: (0, 0)
  return pl.pallas_call(
      body,
      grid=(n_pad // BN,),
      in_specs=[
          pl.BlockSpec((BN, F), row),
          pl.BlockSpec((BN, F), row),
          pl.BlockSpec((BN, F), row),
          pl.BlockSpec((BN, 1), row),
          pl.BlockSpec((BN, 1), row),
          pl.BlockSpec((F, F), full),
          pl.BlockSpec((F, F), full),
      ],
      out_specs=[
          pl.BlockSpec((BN, F), row),
          pl.BlockSpec((BN, 1), row),
      ],
      out_shape=[
          jax.ShapeDtypeStruct((n_pad, F), jnp.float32),
          jax.ShapeDtypeStruct((n_pad, 1), jnp.float32),
      ],
  )(h, p0, p1, d0, d1, w_s, w_n)


def _tc_final(h, p0, p1, inv, w_s, w_n, c_pad, w_out_pad, n_pad):

  def body(h_ref, p0_ref, p1_ref, inv_ref, ws_ref, wn_ref, c_ref, wo_ref,
           o_ref):
    agg = (p0_ref[...] + p1_ref[...]) * inv_ref[...]
    acc = jnp.dot(h_ref[...], ws_ref[...], preferred_element_type=jnp.float32)
    acc = acc + jnp.dot(agg, wn_ref[...], preferred_element_type=jnp.float32)
    h2 = jnp.maximum(acc, 0.0)
    o_ref[...] = c_ref[...] + jnp.dot(
        h2, wo_ref[...], preferred_element_type=jnp.float32)

  row = lambda i: (i, 0)
  full = lambda i: (0, 0)
  return pl.pallas_call(
      body,
      grid=(n_pad // BN,),
      in_specs=[
          pl.BlockSpec((BN, F), row),
          pl.BlockSpec((BN, F), row),
          pl.BlockSpec((BN, F), row),
          pl.BlockSpec((BN, 1), row),
          pl.BlockSpec((F, F), full),
          pl.BlockSpec((F, F), full),
          pl.BlockSpec((BN, F), row),
          pl.BlockSpec((F, F), full),
      ],
      out_specs=pl.BlockSpec((BN, F), lambda i: (i, 0)),
      out_shape=jax.ShapeDtypeStruct((n_pad, F), jnp.float32),
  )(h, p0, p1, inv, w_s, w_n, c_pad, w_out_pad)


def kernel(x, c, edge_index, W_embed, W_self0, W_nbr0, W_self1, W_nbr1, W_out):
  n, f = x.shape
  d = c.shape[1]
  e = edge_index.shape[1]

  n_pad = ((n + BN - 1) // BN) * BN
  nw = 32
  chunk = nw * K
  e_pad = ((e + chunk - 1) // chunk) * chunk

  f32 = jnp.float32
  x_pad = jnp.zeros((n_pad, F), f32).at[:n].set(x)
  c_pad = jnp.zeros((n_pad, F), f32).at[:n, :d].set(c)
  we_pad = jnp.zeros((F, F), f32).at[:d].set(W_embed)
  wo_pad = jnp.zeros((F, F), f32).at[:, :d].set(W_out)

  pad_e = e_pad - e
  pad_idx = jnp.full((pad_e,), n, jnp.int32)
  src = jnp.concatenate([edge_index[0], pad_idx])
  dst = jnp.concatenate([edge_index[1], pad_idx])

  dummy = jnp.zeros((K,), f32)
  h0 = _tc_embed(c_pad, x_pad, we_pad, n_pad)
  aggs, degs = _sc_edge_pass(h0, src, dst, dummy, n_pad, with_deg=True)
  d0 = degs[:n_pad, None]
  d1 = degs[n_pad:, None]
  h1, inv = _tc_layer(h0, aggs[:n_pad], aggs[n_pad:], d0, d1,
                      W_self0, W_nbr0, n_pad)
  (aggs1,) = _sc_edge_pass(h1, src, dst, dummy, n_pad, with_deg=False)
  out = _tc_final(h1, aggs1[:n_pad], aggs1[n_pad:], inv,
                  W_self1, W_nbr1, c_pad, wo_pad, n_pad)
  return out[:n, :d]

# --- scband reference (transcript-rebuilt; emitter-appended) ---
"""Pipeline reference for scband-model-13683765805513 (READ-ONLY COPY).

The authoritative reference and input builder live on the scoring server;
editing this copy changes nothing except your own understanding.
"""

import jax, jax.numpy as jnp
import numpy as np


def setup_inputs(seed: int = 0) -> dict:
    key = jax.random.key(seed)
    ks = jax.random.split(key, 9)
    N, F, D, E = 10000, 128, 3, 320000
    x = jax.random.normal(ks[0], (N, F), dtype=jnp.float32)
    c = jax.random.normal(ks[1], (N, D), dtype=jnp.float32)
    edge_index = jax.random.randint(ks[2], (2, E), 0, N, dtype=jnp.int32)
    W_embed = jax.random.normal(ks[3], (D, F), dtype=jnp.float32) * 0.1
    W_self0 = jax.random.normal(ks[4], (F, F), dtype=jnp.float32) * 0.05
    W_nbr0 = jax.random.normal(ks[5], (F, F), dtype=jnp.float32) * 0.05
    W_self1 = jax.random.normal(ks[6], (F, F), dtype=jnp.float32) * 0.05
    W_nbr1 = jax.random.normal(ks[7], (F, F), dtype=jnp.float32) * 0.05
    W_out = jax.random.normal(ks[8], (F, D), dtype=jnp.float32) * 0.05
    return {"x": x, "c": c, "edge_index": edge_index, "W_embed": W_embed,
            "W_self0": W_self0, "W_nbr0": W_nbr0, "W_self1": W_self1,
            "W_nbr1": W_nbr1, "W_out": W_out}


def reference(x, c, edge_index, W_embed, W_self0, W_nbr0, W_self1, W_nbr1, W_out):
    # Deformer block (Pixel2Mesh-style mesh deformation GCN):
    #   embed coordinates -> depth GCN message-passing layers over mesh edges
    #   -> residual coordinate update c_new = c + h @ W_out
    N = x.shape[0]
    src = edge_index[0]
    dst = edge_index[1]
    deg = jax.ops.segment_sum(jnp.ones((src.shape[0],), dtype=jnp.float32), dst, num_segments=N)
    inv_deg = 1.0 / jnp.maximum(deg, 1.0)
    # embed: x = deformer.embed(c), combined with incoming vertex features
    h = jax.nn.relu(c @ W_embed + x)
    for W_s, W_n in ((W_self0, W_nbr0), (W_self1, W_nbr1)):
        msg = jnp.take(h, src, axis=0)                    # gather along edges
        agg = jax.ops.segment_sum(msg, dst, num_segments=N) * inv_deg[:, None]  # scatter-add + mean norm
        h = jax.nn.relu(h @ W_s + agg @ W_n)
    c_new = c + h @ W_out
    return c_new

if __name__ == "__main__":
    import jax
    _d = setup_inputs()
    print(jax.jit(kernel)(*tuple(_d.values())))

</pallas_src>

<mosaic_0001>
#map = affine_map<(d0, d1) -> (0, 0)>
#map1 = affine_map<(d0, d1) -> (0)>
module attributes {stable_mosaic.version = 14 : i64} {
  func.func @body(%arg0: i32, %arg1: i32, %arg2: memref<10240x128xf32, #tpu.memory_space<hbm>>, %arg3: memref<323584xi32, #tpu.memory_space<hbm>>, %arg4: memref<323584xi32, #tpu.memory_space<hbm>>, %arg5: memref<128xf32, #tpu.memory_space<hbm>>, %arg6: memref<20480x128xf32, #tpu.memory_space<hbm>>, %arg7: memref<20480xf32, #tpu.memory_space<hbm>>, %arg8: memref<128xi32, #tpu.memory_space<vmem>>, %arg9: memref<128xi32, #tpu.memory_space<vmem>>, %arg10: memref<128xi32, #tpu.memory_space<vmem>>, %arg11: memref<128xi32, #tpu.memory_space<vmem>>, %arg12: memref<128x128xf32, #tpu.memory_space<vmem>>, %arg13: memref<128x128xf32, #tpu.memory_space<vmem>>, %arg14: memref<128xf32, #tpu.memory_space<vmem>>, %arg15: memref<640xf32, #tpu.memory_space<vmem>>, %arg16: memref<10240x128xf32, #tpu.memory_space<vmem_shared>>, %arg17: memref<10240xf32, #tpu.memory_space<vmem_shared>>, %arg18: memref<!tpu.dma_semaphore, #tpu.memory_space<semaphore_mem>>, %arg19: memref<!tpu.dma_semaphore, #tpu.memory_space<semaphore_mem>>, %arg20: memref<!tpu.dma_semaphore, #tpu.memory_space<semaphore_mem>>, %arg21: memref<!tpu.dma_semaphore, #tpu.memory_space<semaphore_mem>>) attributes {dimension_semantics = [#tpu.dimension_semantics<core_parallel>, #tpu.dimension_semantics<subcore_parallel>], iteration_bounds = array<i64: 2, 16>, scalar_prefetch = 0 : i64, scratch_operands = 14 : i64, tpu.core_type = #tpu.core_type<sc_vector_subcore>, window_params = [{transform_indices = #map}, {transform_indices = #map1}, {transform_indices = #map1}, {transform_indices = #map1}, {transform_indices = #map}, {transform_indices = #map1}]} {
    %mul3A = arith.constant 16 : i32
    %mul3A_0 = arith.muli %arg0, %mul3A : i32
    %add3A = arith.addi %mul3A_0, %arg1 : i32
    %broadcast_in_dim3A = arith.constant 0.000000e+00 : f32
    %broadcast_in_dim3A_1 = vector.broadcast %broadcast_in_dim3A : f32 to vector<16xf32>
    %scan3A = arith.constant 0 : i32
    %scan3A_2 = arith.constant 0 : i32
    %scan3A_3 = arith.constant 1024 : i32
    %scan3A_4 = arith.addi %scan3A_2, %scan3A_3 : i32
    %scan3A_5 = arith.constant 1 : i32
    scf.for %scan3A_127 = %scan3A_2 to %scan3A_4 step %scan3A_5  : i32 {
      %jit3A = arith.constant 8 : i32
      %div3A = arith.divsi %scan3A_127, %jit3A : i32
      %sign3A = arith.constant 0 : i32
      %sign3A_128 = arith.cmpi sgt, %scan3A_127, %sign3A : i32
      %sign3A_129 = arith.extui %sign3A_128 : i1 to i32
      %sign3A_130 = arith.constant 0 : i32
      %sign3A_131 = arith.cmpi slt, %scan3A_127, %sign3A_130 : i32
      %sign3A_132 = arith.extui %sign3A_131 : i1 to i32
      %sign3A_133 = arith.subi %sign3A_129, %sign3A_132 : i32
      %sign3A_134 = arith.constant 0 : i32
      %sign3A_135 = arith.cmpi sgt, %jit3A, %sign3A_134 : i32
      %sign3A_136 = arith.extui %sign3A_135 : i1 to i32
      %sign3A_137 = arith.constant 0 : i32
      %sign3A_138 = arith.cmpi slt, %jit3A, %sign3A_137 : i32
      %sign3A_139 = arith.extui %sign3A_138 : i1 to i32
      %sign3A_140 = arith.subi %sign3A_136, %sign3A_139 : i32
      %ne3A = arith.cmpi ne, %sign3A_133, %sign3A_140 : i32
      %rem3A = arith.remsi %scan3A_127, %jit3A : i32
      %ne3A_141 = arith.constant 0 : i32
      %ne3A_142 = arith.cmpi ne, %rem3A, %ne3A_141 : i32
      %and3A = arith.andi %ne3A, %ne3A_142 : i1
      %sub3A = arith.constant 1 : i32
      %sub3A_143 = arith.subi %div3A, %sub3A : i32
      %select_n3A = arith.select %and3A, %sub3A_143, %div3A : i32
      %jit3A_144 = arith.constant 8 : i32
      %eq3A = arith.constant 0 : i32
      %eq3A_145 = arith.cmpi eq, %jit3A_144, %eq3A : i32
      %jit3A_146 = arith.constant 1 : i32
      %select_n3A_147 = arith.select %eq3A_145, %jit3A_146, %jit3A_144 : i32
      %rem3A_148 = arith.remsi %scan3A_127, %select_n3A_147 : i32
      %ne3A_149 = arith.constant 0 : i32
      %ne3A_150 = arith.cmpi ne, %rem3A_148, %ne3A_149 : i32
      %lt3A = arith.constant 0 : i32
      %lt3A_151 = arith.cmpi slt, %rem3A_148, %lt3A : i32
      %lt3A_152 = arith.constant 0 : i32
      %lt3A_153 = arith.cmpi slt, %select_n3A_147, %lt3A_152 : i32
      %ne3A_154 = arith.xori %lt3A_151, %lt3A_153 : i1
      %and3A_155 = arith.andi %ne3A_154, %ne3A_150 : i1
      %add3A_156 = arith.addi %rem3A_148, %select_n3A_147 : i32
      %select_n3A_157 = arith.select %and3A_155, %add3A_156, %rem3A_148 : i32
      %mul3A_158 = arith.constant 16 : i32
      %mul3A_159 = arith.muli %select_n3A_157, %mul3A_158 : i32
      %swap3A = arith.index_cast %select_n3A : i32 to index
      %swap3A_160 = arith.index_cast %mul3A_159 : i32 to index
      %swap3A_161 = tpu.vector_load %arg12[%swap3A, %swap3A_160] {strides = array<i32>} : memref<128x128xf32, #tpu.memory_space<vmem>>, vector<1x16xf32>,
      %swap3A_162 = vector.shape_cast %swap3A_161 : vector<1x16xf32> to vector<16xf32>
      %swap3A_163 = vector.shape_cast %broadcast_in_dim3A_1 : vector<16xf32> to vector<1x16xf32>
      tpu.vector_store %arg12[%swap3A, %swap3A_160], %swap3A_163 {strides = array<i32>} : memref<128x128xf32, #tpu.memory_space<vmem>>, vector<1x16xf32>,
    }
    %scan3A_6 = arith.constant 1024 : i32
    %mul3A_7 = arith.constant 640 : i32
    %mul3A_8 = arith.muli %arg1, %mul3A_7 : i32
    %add3A_9 = arith.constant 0 : i32
    %add3A_10 = arith.addi %mul3A_8, %add3A_9 : i32
    "tpu.region"() ({
      %run_scoped3A = tpu.sem_alloc : memref<!tpu.dma_semaphore, #tpu.memory_space<semaphore_mem>>
      %dma_start3A_127 = arith.constant 0 : i32
      %dma_start3A_128 = tpu.memref_slice %arg16[%add3A_10, %dma_start3A_127] : memref<10240x128xf32, #tpu.memory_space<vmem_shared>> -> memref<128x128xf32, #tpu.memory_space<vmem_shared>>
      %dma_start3A_129 = arith.constant 0 : i32
      %dma_start3A_130 = tpu.memref_slice %arg16[%add3A_10, %dma_start3A_129] : memref<10240x128xf32, #tpu.memory_space<vmem_shared>> -> memref<128x128xf32, #tpu.memory_space<vmem_shared>>
      tpu.enqueue_dma source(%arg12 : memref<128x128xf32, #tpu.memory_space<vmem>>) target(%dma_start3A_130 : memref<128x128xf32, #tpu.memory_space<vmem_shared>>) target_semaphore(%run_scoped3A : memref<!tpu.dma_semaphore, #tpu.memory_space<semaphore_mem>>)
      %dma_wait3A_131 = arith.constant 0 : i32
      %dma_wait3A_132 = tpu.memref_slice %arg16[%add3A_10, %dma_wait3A_131] : memref<10240x128xf32, #tpu.memory_space<vmem_shared>> -> memref<128x128xf32, #tpu.memory_space<vmem_shared>>
      %dma_wait3A_133 = arith.constant 0 : i32
      %dma_wait3A_134 = tpu.memref_slice %arg16[%add3A_10, %dma_wait3A_133] : memref<10240x128xf32, #tpu.memory_space<vmem_shared>> -> memref<128x128xf32, #tpu.memory_space<vmem_shared>>
      tpu.wait_dma2 semaphore(%run_scoped3A : memref<!tpu.dma_semaphore, #tpu.memory_space<semaphore_mem>>) src(%arg12 : memref<128x128xf32, #tpu.memory_space<vmem>>) dst(%dma_wait3A_134 : memref<128x128xf32, #tpu.memory_space<vmem_shared>>)
      tpu.yield
    }) : () -> ()
    %mul3A_11 = arith.constant 640 : i32
    %mul3A_12 = arith.muli %arg1, %mul3A_11 : i32
    %add3A_13 = arith.constant 128 : i32
    %add3A_14 = arith.addi %mul3A_12, %add3A_13 : i32
    "tpu.region"() ({
      %run_scoped3A = tpu.sem_alloc : memref<!tpu.dma_semaphore, #tpu.memory_space<semaphore_mem>>
      %dma_start3A_127 = arith.constant 0 : i32
      %dma_start3A_128 = tpu.memref_slice %arg16[%add3A_14, %dma_start3A_127] : memref<10240x128xf32, #tpu.memory_space<vmem_shared>> -> memref<128x128xf32, #tpu.memory_space<vmem_shared>>
      %dma_start3A_129 = arith.constant 0 : i32
      %dma_start3A_130 = tpu.memref_slice %arg16[%add3A_14, %dma_start3A_129] : memref<10240x128xf32, #tpu.memory_space<vmem_shared>> -> memref<128x128xf32, #tpu.memory_space<vmem_shared>>
      tpu.enqueue_dma source(%arg12 : memref<128x128xf32, #tpu.memory_space<vmem>>) target(%dma_start3A_130 : memref<128x128xf32, #tpu.memory_space<vmem_shared>>) target_semaphore(%run_scoped3A : memref<!tpu.dma_semaphore, #tpu.memory_space<semaphore_mem>>)
      %dma_wait3A_131 = arith.constant 0 : i32
      %dma_wait3A_132 = tpu.memref_slice %arg16[%add3A_14, %dma_wait3A_131] : memref<10240x128xf32, #tpu.memory_space<vmem_shared>> -> memref<128x128xf32, #tpu.memory_space<vmem_shared>>
      %dma_wait3A_133 = arith.constant 0 : i32
      %dma_wait3A_134 = tpu.memref_slice %arg16[%add3A_14, %dma_wait3A_133] : memref<10240x128xf32, #tpu.memory_space<vmem_shared>> -> memref<128x128xf32, #tpu.memory_space<vmem_shared>>
      tpu.wait_dma2 semaphore(%run_scoped3A : memref<!tpu.dma_semaphore, #tpu.memory_space<semaphore_mem>>) src(%arg12 : memref<128x128xf32, #tpu.memory_space<vmem>>) dst(%dma_wait3A_134 : memref<128x128xf32, #tpu.memory_space<vmem_shared>>)
      tpu.yield
    }) : () -> ()
    %mul3A_15 = arith.constant 640 : i32
    %mul3A_16 = arith.muli %arg1, %mul3A_15 : i32
    %add3A_17 = arith.constant 256 : i32
    %add3A_18 = arith.addi %mul3A_16, %add3A_17 : i32
    "tpu.region"() ({
      %run_scoped3A = tpu.sem_alloc : memref<!tpu.dma_semaphore, #tpu.memory_space<semaphore_mem>>
      %dma_start3A_127 = arith.constant 0 : i32
      %dma_start3A_128 = tpu.memref_slice %arg16[%add3A_18, %dma_start3A_127] : memref<10240x128xf32, #tpu.memory_space<vmem_shared>> -> memref<128x128xf32, #tpu.memory_space<vmem_shared>>
      %dma_start3A_129 = arith.constant 0 : i32
      %dma_start3A_130 = tpu.memref_slice %arg16[%add3A_18, %dma_start3A_129] : memref<10240x128xf32, #tpu.memory_space<vmem_shared>> -> memref<128x128xf32, #tpu.memory_space<vmem_shared>>
      tpu.enqueue_dma source(%arg12 : memref<128x128xf32, #tpu.memory_space<vmem>>) target(%dma_start3A_130 : memref<128x128xf32, #tpu.memory_space<vmem_shared>>) target_semaphore(%run_scoped3A : memref<!tpu.dma_semaphore, #tpu.memory_space<semaphore_mem>>)
      %dma_wait3A_131 = arith.constant 0 : i32
      %dma_wait3A_132 = tpu.memref_slice %arg16[%add3A_18, %dma_wait3A_131] : memref<10240x128xf32, #tpu.memory_space<vmem_shared>> -> memref<128x128xf32, #tpu.memory_space<vmem_shared>>
      %dma_wait3A_133 = arith.constant 0 : i32
      %dma_wait3A_134 = tpu.memref_slice %arg16[%add3A_18, %dma_wait3A_133] : memref<10240x128xf32, #tpu.memory_space<vmem_shared>> -> memref<128x128xf32, #tpu.memory_space<vmem_shared>>
      tpu.wait_dma2 semaphore(%run_scoped3A : memref<!tpu.dma_semaphore, #tpu.memory_space<semaphore_mem>>) src(%arg12 : memref<128x128xf32, #tpu.memory_space<vmem>>) dst(%dma_wait3A_134 : memref<128x128xf32, #tpu.memory_space<vmem_shared>>)
      tpu.yield
    }) : () -> ()
    %mul3A_19 = arith.constant 640 : i32
    %mul3A_20 = arith.muli %arg1, %mul3A_19 : i32
    %add3A_21 = arith.constant 384 : i32
    %add3A_22 = arith.addi %mul3A_20, %add3A_21 : i32
    "tpu.region"() ({
      %run_scoped3A = tpu.sem_alloc : memref<!tpu.dma_semaphore, #tpu.memory_space<semaphore_mem>>
      %dma_start3A_127 = arith.constant 0 : i32
      %dma_start3A_128 = tpu.memref_slice %arg16[%add3A_22, %dma_start3A_127] : memref<10240x128xf32, #tpu.memory_space<vmem_shared>> -> memref<128x128xf32, #tpu.memory_space<vmem_shared>>
      %dma_start3A_129 = arith.constant 0 : i32
      %dma_start3A_130 = tpu.memref_slice %arg16[%add3A_22, %dma_start3A_129] : memref<10240x128xf32, #tpu.memory_space<vmem_shared>> -> memref<128x128xf32, #tpu.memory_space<vmem_shared>>
      tpu.enqueue_dma source(%arg12 : memref<128x128xf32, #tpu.memory_space<vmem>>) target(%dma_start3A_130 : memref<128x128xf32, #tpu.memory_space<vmem_shared>>) target_semaphore(%run_scoped3A : memref<!tpu.dma_semaphore, #tpu.memory_space<semaphore_mem>>)
      %dma_wait3A_131 = arith.constant 0 : i32
      %dma_wait3A_132 = tpu.memref_slice %arg16[%add3A_22, %dma_wait3A_131] : memref<10240x128xf32, #tpu.memory_space<vmem_shared>> -> memref<128x128xf32, #tpu.memory_space<vmem_shared>>
      %dma_wait3A_133 = arith.constant 0 : i32
      %dma_wait3A_134 = tpu.memref_slice %arg16[%add3A_22, %dma_wait3A_133] : memref<10240x128xf32, #tpu.memory_space<vmem_shared>> -> memref<128x128xf32, #tpu.memory_space<vmem_shared>>
      tpu.wait_dma2 semaphore(%run_scoped3A : memref<!tpu.dma_semaphore, #tpu.memory_space<semaphore_mem>>) src(%arg12 : memref<128x128xf32, #tpu.memory_space<vmem>>) dst(%dma_wait3A_134 : memref<128x128xf32, #tpu.memory_space<vmem_shared>>)
      tpu.yield
    }) : () -> ()
    %mul3A_23 = arith.constant 640 : i32
    %mul3A_24 = arith.muli %arg1, %mul3A_23 : i32
    %add3A_25 = arith.constant 512 : i32
    %add3A_26 = arith.addi %mul3A_24, %add3A_25 : i32
    "tpu.region"() ({
      %run_scoped3A = tpu.sem_alloc : memref<!tpu.dma_semaphore, #tpu.memory_space<semaphore_mem>>
      %dma_start3A_127 = arith.constant 0 : i32
      %dma_start3A_128 = tpu.memref_slice %arg16[%add3A_26, %dma_start3A_127] : memref<10240x128xf32, #tpu.memory_space<vmem_shared>> -> memref<128x128xf32, #tpu.memory_space<vmem_shared>>
      %dma_start3A_129 = arith.constant 0 : i32
      %dma_start3A_130 = tpu.memref_slice %arg16[%add3A_26, %dma_start3A_129] : memref<10240x128xf32, #tpu.memory_space<vmem_shared>> -> memref<128x128xf32, #tpu.memory_space<vmem_shared>>
      tpu.enqueue_dma source(%arg12 : memref<128x128xf32, #tpu.memory_space<vmem>>) target(%dma_start3A_130 : memref<128x128xf32, #tpu.memory_space<vmem_shared>>) target_semaphore(%run_scoped3A : memref<!tpu.dma_semaphore, #tpu.memory_space<semaphore_mem>>)
      %dma_wait3A_131 = arith.constant 0 : i32
      %dma_wait3A_132 = tpu.memref_slice %arg16[%add3A_26, %dma_wait3A_131] : memref<10240x128xf32, #tpu.memory_space<vmem_shared>> -> memref<128x128xf32, #tpu.memory_space<vmem_shared>>
      %dma_wait3A_133 = arith.constant 0 : i32
      %dma_wait3A_134 = tpu.memref_slice %arg16[%add3A_26, %dma_wait3A_133] : memref<10240x128xf32, #tpu.memory_space<vmem_shared>> -> memref<128x128xf32, #tpu.memory_space<vmem_shared>>
      tpu.wait_dma2 semaphore(%run_scoped3A : memref<!tpu.dma_semaphore, #tpu.memory_space<semaphore_mem>>) src(%arg12 : memref<128x128xf32, #tpu.memory_space<vmem>>) dst(%dma_wait3A_134 : memref<128x128xf32, #tpu.memory_space<vmem_shared>>)
      tpu.yield
    }) : () -> ()
    %broadcast_in_dim3A_27 = arith.constant 1.000000e+00 : f32
    %broadcast_in_dim3A_28 = vector.broadcast %broadcast_in_dim3A_27 : f32 to vector<16xf32>
    %scan3A_29 = arith.constant 0 : i32
    %scan3A_30 = arith.constant 0 : i32
    %scan3A_31 = arith.constant 8 : i32
    %scan3A_32 = arith.addi %scan3A_30, %scan3A_31 : i32
    %scan3A_33 = arith.constant 1 : i32
    scf.for %scan3A_127 = %scan3A_30 to %scan3A_32 step %scan3A_33  : i32 {
      %mul3A_128 = arith.constant 16 : i32
      %mul3A_129 = arith.muli %scan3A_127, %mul3A_128 : i32
      %swap3A = arith.index_cast %mul3A_129 : i32 to index
      %swap3A_130 = tpu.vector_load %arg14[%swap3A] {strides = array<i32>} : memref<128xf32, #tpu.memory_space<vmem>>, vector<16xf32>,
      %swap3A_131 = vector.shape_cast %swap3A_130 : vector<16xf32> to vector<16xf32>
      %swap3A_132 = vector.shape_cast %broadcast_in_dim3A_28 : vector<16xf32> to vector<16xf32>
      tpu.vector_store %arg14[%swap3A], %swap3A_132 {strides = array<i32>} : memref<128xf32, #tpu.memory_space<vmem>>, vector<16xf32>,
    }
    %scan3A_34 = arith.constant 8 : i32
    %scan3A_35 = arith.constant 0 : i32
    %scan3A_36 = arith.constant 0 : i32
    %scan3A_37 = arith.constant 40 : i32
    %scan3A_38 = arith.addi %scan3A_36, %scan3A_37 : i32
    %scan3A_39 = arith.constant 1 : i32
    scf.for %scan3A_127 = %scan3A_36 to %scan3A_38 step %scan3A_39  : i32 {
      %mul3A_128 = arith.constant 16 : i32
      %mul3A_129 = arith.muli %scan3A_127, %mul3A_128 : i32
      %swap3A = arith.index_cast %mul3A_129 : i32 to index
      %swap3A_130 = tpu.vector_load %arg15[%swap3A] {strides = array<i32>} : memref<640xf32, #tpu.memory_space<vmem>>, vector<16xf32>,
      %swap3A_131 = vector.shape_cast %swap3A_130 : vector<16xf32> to vector<16xf32>
      %swap3A_132 = vector.shape_cast %broadcast_in_dim3A_1 : vector<16xf32> to vector<16xf32>
      tpu.vector_store %arg15[%swap3A], %swap3A_132 {strides = array<i32>} : memref<640xf32, #tpu.memory_space<vmem>>, vector<16xf32>,
    }
    %scan3A_40 = arith.constant 40 : i32
    %mul3A_41 = arith.constant 640 : i32
    %mul3A_42 = arith.muli %arg1, %mul3A_41 : i32
    "tpu.region"() ({
      %run_scoped3A = tpu.sem_alloc : memref<!tpu.dma_semaphore, #tpu.memory_space<semaphore_mem>>
      %dma_start3A_127 = tpu.memref_slice %arg17[%mul3A_42] : memref<10240xf32, #tpu.memory_space<vmem_shared>> -> memref<640xf32, #tpu.memory_space<vmem_shared>>
      %dma_start3A_128 = tpu.memref_slice %arg17[%mul3A_42] : memref<10240xf32, #tpu.memory_space<vmem_shared>> -> memref<640xf32, #tpu.memory_space<vmem_shared>>
      tpu.enqueue_dma source(%arg15 : memref<640xf32, #tpu.memory_space<vmem>>) target(%dma_start3A_128 : memref<640xf32, #tpu.memory_space<vmem_shared>>) target_semaphore(%run_scoped3A : memref<!tpu.dma_semaphore, #tpu.memory_space<semaphore_mem>>)
      %dma_wait3A_129 = tpu.memref_slice %arg17[%mul3A_42] : memref<10240xf32, #tpu.memory_space<vmem_shared>> -> memref<640xf32, #tpu.memory_space<vmem_shared>>
      %dma_wait3A_130 = tpu.memref_slice %arg17[%mul3A_42] : memref<10240xf32, #tpu.memory_space<vmem_shared>> -> memref<640xf32, #tpu.memory_space<vmem_shared>>
      tpu.wait_dma2 semaphore(%run_scoped3A : memref<!tpu.dma_semaphore, #tpu.memory_space<semaphore_mem>>) src(%arg15 : memref<640xf32, #tpu.memory_space<vmem>>) dst(%dma_wait3A_130 : memref<640xf32, #tpu.memory_space<vmem_shared>>)
      tpu.yield
    }) : () -> ()
    %barrier3A = arith.constant 0 : index
    tpu.barrier barrier_id(%barrier3A)
    %mul3A_43 = arith.constant 10112 : i32
    %mul3A_44 = arith.muli %add3A, %mul3A_43 : i32
    "tpu.region"() ({
      %run_scoped3A = tpu.sem_alloc : memref<!tpu.dma_semaphore, #tpu.memory_space<semaphore_mem>>
      %dma_start3A_127 = tpu.memref_slice %arg3[%mul3A_44] : memref<323584xi32, #tpu.memory_space<hbm>> -> memref<128xi32, #tpu.memory_space<hbm>>
      %dma_start3A_128 = tpu.memref_slice %arg3[%mul3A_44] : memref<323584xi32, #tpu.memory_space<hbm>> -> memref<128xi32, #tpu.memory_space<hbm>>
      tpu.enqueue_dma source(%dma_start3A_128 : memref<128xi32, #tpu.memory_space<hbm>>) target(%arg8 : memref<128xi32, #tpu.memory_space<vmem>>) target_semaphore(%run_scoped3A : memref<!tpu.dma_semaphore, #tpu.memory_space<semaphore_mem>>)
      %dma_wait3A_129 = tpu.memref_slice %arg3[%mul3A_44] : memref<323584xi32, #tpu.memory_space<hbm>> -> memref<128xi32, #tpu.memory_space<hbm>>
      %dma_wait3A_130 = tpu.memref_slice %arg3[%mul3A_44] : memref<323584xi32, #tpu.memory_space<hbm>> -> memref<128xi32, #tpu.memory_space<hbm>>
      tpu.wait_dma2 semaphore(%run_scoped3A : memref<!tpu.dma_semaphore, #tpu.memory_space<semaphore_mem>>) src(%dma_wait3A_130 : memref<128xi32, #tpu.memory_space<hbm>>) dst(%arg8 : memref<128xi32, #tpu.memory_space<vmem>>)
      tpu.yield
    }) : () -> ()
    "tpu.region"() ({
      %run_scoped3A = tpu.sem_alloc : memref<!tpu.dma_semaphore, #tpu.memory_space<semaphore_mem>>
      %dma_start3A_127 = tpu.memref_slice %arg4[%mul3A_44] : memref<323584xi32, #tpu.memory_space<hbm>> -> memref<128xi32, #tpu.memory_space<hbm>>
      %dma_start3A_128 = tpu.memref_slice %arg4[%mul3A_44] : memref<323584xi32, #tpu.memory_space<hbm>> -> memref<128xi32, #tpu.memory_space<hbm>>
      tpu.enqueue_dma source(%dma_start3A_128 : memref<128xi32, #tpu.memory_space<hbm>>) target(%arg9 : memref<128xi32, #tpu.memory_space<vmem>>) target_semaphore(%run_scoped3A : memref<!tpu.dma_semaphore, #tpu.memory_space<semaphore_mem>>)
      %dma_wait3A_129 = tpu.memref_slice %arg4[%mul3A_44] : memref<323584xi32, #tpu.memory_space<hbm>> -> memref<128xi32, #tpu.memory_space<hbm>>
      %dma_wait3A_130 = tpu.memref_slice %arg4[%mul3A_44] : memref<323584xi32, #tpu.memory_space<hbm>> -> memref<128xi32, #tpu.memory_space<hbm>>
      tpu.wait_dma2 semaphore(%run_scoped3A : memref<!tpu.dma_semaphore, #tpu.memory_space<semaphore_mem>>) src(%dma_wait3A_130 : memref<128xi32, #tpu.memory_space<hbm>>) dst(%arg9 : memref<128xi32, #tpu.memory_space<vmem>>)
      tpu.yield
    }) : () -> ()
    %dma_start3A = arith.constant 0 : i32
    %dma_start3A_45 = arith.constant 0 : i32
    %dma_start3A_46 = tpu.memref_slice %arg2[%dma_start3A, %dma_start3A_45] : memref<10240x128xf32, #tpu.memory_space<hbm>> -> memref<10240x128xf32, #tpu.memory_space<hbm>>
    tpu.enqueue_indirect_dma source(%dma_start3A_46 : memref<10240x128xf32, #tpu.memory_space<hbm>>) target(%arg12 : memref<128x128xf32, #tpu.memory_space<vmem>>) offsets(%arg8 : memref<128xi32, #tpu.memory_space<vmem>>) semaphore(%arg18 : memref<!tpu.dma_semaphore, #tpu.memory_space<semaphore_mem>>)
    %dma_wait3A = arith.constant 0 : i32
    %dma_wait3A_47 = arith.constant 0 : i32
    %dma_wait3A_48 = tpu.memref_slice %arg2[%dma_wait3A, %dma_wait3A_47] : memref<10240x128xf32, #tpu.memory_space<hbm>> -> memref<128x128xf32, #tpu.memory_space<hbm>>
    %dma_wait3A_49 = arith.constant 0 : i32
    %dma_wait3A_50 = arith.constant 0 : i32
    %dma_wait3A_51 = tpu.memref_slice %arg2[%dma_wait3A_49, %dma_wait3A_50] : memref<10240x128xf32, #tpu.memory_space<hbm>> -> memref<128x128xf32, #tpu.memory_space<hbm>>
    tpu.wait_dma2 semaphore(%arg18 : memref<!tpu.dma_semaphore, #tpu.memory_space<semaphore_mem>>) src(%dma_wait3A_51 : memref<128x128xf32, #tpu.memory_space<hbm>>) dst(%arg12 : memref<128x128xf32, #tpu.memory_space<vmem>>)
    %dma_start3A_52 = arith.constant 0 : i32
    %dma_start3A_53 = arith.constant 0 : i32
    %dma_start3A_54 = tpu.memref_slice %arg16[%dma_start3A_52, %dma_start3A_53] : memref<10240x128xf32, #tpu.memory_space<vmem_shared>> -> memref<10240x128xf32, #tpu.memory_space<vmem_shared>>
    tpu.enqueue_indirect_dma source(%arg12 : memref<128x128xf32, #tpu.memory_space<vmem>>) target(%dma_start3A_54 : memref<10240x128xf32, #tpu.memory_space<vmem_shared>>) offsets(%arg9 : memref<128xi32, #tpu.memory_space<vmem>>) semaphore(%arg20 : memref<!tpu.dma_semaphore, #tpu.memory_space<semaphore_mem>>) {add = true}
    %dma_start3A_55 = arith.constant 0 : i32
    %dma_start3A_56 = tpu.memref_slice %arg17[%dma_start3A_55] : memref<10240xf32, #tpu.memory_space<vmem_shared>> -> memref<10240xf32, #tpu.memory_space<vmem_shared>>
    tpu.enqueue_indirect_dma source(%arg14 : memref<128xf32, #tpu.memory_space<vmem>>) target(%dma_start3A_56 : memref<10240xf32, #tpu.memory_space<vmem_shared>>) offsets(%arg9 : memref<128xi32, #tpu.memory_space<vmem>>) semaphore(%arg20 : memref<!tpu.dma_semaphore, #tpu.memory_space<semaphore_mem>>) {add = true}
    %add3A_57 = arith.constant 128 : i32
    %add3A_58 = arith.addi %mul3A_44, %add3A_57 : i32
    "tpu.region"() ({
      %run_scoped3A = tpu.sem_alloc : memref<!tpu.dma_semaphore, #tpu.memory_space<semaphore_mem>>
      %dma_start3A_127 = tpu.memref_slice %arg3[%add3A_58] : memref<323584xi32, #tpu.memory_space<hbm>> -> memref<128xi32, #tpu.memory_space<hbm>>
      %dma_start3A_128 = tpu.memref_slice %arg3[%add3A_58] : memref<323584xi32, #tpu.memory_space<hbm>> -> memref<128xi32, #tpu.memory_space<hbm>>
      tpu.enqueue_dma source(%dma_start3A_128 : memref<128xi32, #tpu.memory_space<hbm>>) target(%arg10 : memref<128xi32, #tpu.memory_space<vmem>>) target_semaphore(%run_scoped3A : memref<!tpu.dma_semaphore, #tpu.memory_space<semaphore_mem>>)
      %dma_wait3A_129 = tpu.memref_slice %arg3[%add3A_58] : memref<323584xi32, #tpu.memory_space<hbm>> -> memref<128xi32, #tpu.memory_space<hbm>>
      %dma_wait3A_130 = tpu.memref_slice %arg3[%add3A_58] : memref<323584xi32, #tpu.memory_space<hbm>> -> memref<128xi32, #tpu.memory_space<hbm>>
      tpu.wait_dma2 semaphore(%run_scoped3A : memref<!tpu.dma_semaphore, #tpu.memory_space<semaphore_mem>>) src(%dma_wait3A_130 : memref<128xi32, #tpu.memory_space<hbm>>) dst(%arg10 : memref<128xi32, #tpu.memory_space<vmem>>)
      tpu.yield
    }) : () -> ()
    "tpu.region"() ({
      %run_scoped3A = tpu.sem_alloc : memref<!tpu.dma_semaphore, #tpu.memory_space<semaphore_mem>>
      %dma_start3A_127 = tpu.memref_slice %arg4[%add3A_58] : memref<323584xi32, #tpu.memory_space<hbm>> -> memref<128xi32, #tpu.memory_space<hbm>>
      %dma_start3A_128 = tpu.memref_slice %arg4[%add3A_58] : memref<323584xi32, #tpu.memory_space<hbm>> -> memref<128xi32, #tpu.memory_space<hbm>>
      tpu.enqueue_dma source(%dma_start3A_128 : memref<128xi32, #tpu.memory_space<hbm>>) target(%arg11 : memref<128xi32, #tpu.memory_space<vmem>>) target_semaphore(%run_scoped3A : memref<!tpu.dma_semaphore, #tpu.memory_space<semaphore_mem>>)
      %dma_wait3A_129 = tpu.memref_slice %arg4[%add3A_58] : memref<323584xi32, #tpu.memory_space<hbm>> -> memref<128xi32, #tpu.memory_space<hbm>>
      %dma_wait3A_130 = tpu.memref_slice %arg4[%add3A_58] : memref<323584xi32, #tpu.memory_space<hbm>> -> memref<128xi32, #tpu.memory_space<hbm>>
      tpu.wait_dma2 semaphore(%run_scoped3A : memref<!tpu.dma_semaphore, #tpu.memory_space<semaphore_mem>>) src(%dma_wait3A_130 : memref<128xi32, #tpu.memory_space<hbm>>) dst(%arg11 : memref<128xi32, #tpu.memory_space<vmem>>)
      tpu.yield
    }) : () -> ()
    %dma_start3A_59 = arith.constant 0 : i32
    %dma_start3A_60 = arith.constant 0 : i32
    %dma_start3A_61 = tpu.memref_slice %arg2[%dma_start3A_59, %dma_start3A_60] : memref<10240x128xf32, #tpu.memory_space<hbm>> -> memref<10240x128xf32, #tpu.memory_space<hbm>>
    tpu.enqueue_indirect_dma source(%dma_start3A_61 : memref<10240x128xf32, #tpu.memory_space<hbm>>) target(%arg13 : memref<128x128xf32, #tpu.memory_space<vmem>>) offsets(%arg10 : memref<128xi32, #tpu.memory_space<vmem>>) semaphore(%arg19 : memref<!tpu.dma_semaphore, #tpu.memory_space<semaphore_mem>>)
    %scan3A_62 = arith.constant 0 : i32
    %scan3A_63 = arith.constant 0 : i32
    %scan3A_64 = arith.constant 38 : i32
    %scan3A_65 = arith.addi %scan3A_63, %scan3A_64 : i32
    %scan3A_66 = arith.constant 1 : i32
    scf.for %scan3A_127 = %scan3A_63 to %scan3A_65 step %scan3A_66  : i32 {
      %mul3A_128 = arith.constant 2 : i32
      %mul3A_129 = arith.muli %mul3A_128, %scan3A_127 : i32
      %add3A_130 = arith.constant 1 : i32
      %add3A_131 = arith.addi %mul3A_129, %add3A_130 : i32
      %mul3A_132 = arith.constant 128 : i32
      %mul3A_133 = arith.muli %add3A_131, %mul3A_132 : i32
      %add3A_134 = arith.addi %mul3A_44, %mul3A_133 : i32
      %dma_wait3A_135 = arith.constant 0 : i32
      %dma_wait3A_136 = arith.constant 0 : i32
      %dma_wait3A_137 = tpu.memref_slice %arg2[%dma_wait3A_135, %dma_wait3A_136] : memref<10240x128xf32, #tpu.memory_space<hbm>> -> memref<128x128xf32, #tpu.memory_space<hbm>>
      %dma_wait3A_138 = arith.constant 0 : i32
      %dma_wait3A_139 = arith.constant 0 : i32
      %dma_wait3A_140 = tpu.memref_slice %arg2[%dma_wait3A_138, %dma_wait3A_139] : memref<10240x128xf32, #tpu.memory_space<hbm>> -> memref<128x128xf32, #tpu.memory_space<hbm>>
      tpu.wait_dma2 semaphore(%arg19 : memref<!tpu.dma_semaphore, #tpu.memory_space<semaphore_mem>>) src(%dma_wait3A_140 : memref<128x128xf32, #tpu.memory_space<hbm>>) dst(%arg13 : memref<128x128xf32, #tpu.memory_space<vmem>>)
      %dma_start3A_141 = arith.constant 0 : i32
      %dma_start3A_142 = arith.constant 0 : i32
      %dma_start3A_143 = tpu.memref_slice %arg16[%dma_start3A_141, %dma_start3A_142] : memref<10240x128xf32, #tpu.memory_space<vmem_shared>> -> memref<10240x128xf32, #tpu.memory_space<vmem_shared>>
      tpu.enqueue_indirect_dma source(%arg13 : memref<128x128xf32, #tpu.memory_space<vmem>>) target(%dma_start3A_143 : memref<10240x128xf32, #tpu.memory_space<vmem_shared>>) offsets(%arg11 : memref<128xi32, #tpu.memory_space<vmem>>) semaphore(%arg21 : memref<!tpu.dma_semaphore, #tpu.memory_space<semaphore_mem>>) {add = true}
      %dma_start3A_144 = arith.constant 0 : i32
      %dma_start3A_145 = tpu.memref_slice %arg17[%dma_start3A_144] : memref<10240xf32, #tpu.memory_space<vmem_shared>> -> memref<10240xf32, #tpu.memory_space<vmem_shared>>
      tpu.enqueue_indirect_dma source(%arg14 : memref<128xf32, #tpu.memory_space<vmem>>) target(%dma_start3A_145 : memref<10240xf32, #tpu.memory_space<vmem_shared>>) offsets(%arg11 : memref<128xi32, #tpu.memory_space<vmem>>) semaphore(%arg21 : memref<!tpu.dma_semaphore, #tpu.memory_space<semaphore_mem>>) {add = true}
      %dma_wait3A_146 = arith.constant 0 : i32
      %dma_wait3A_147 = arith.constant 0 : i32
      %dma_wait3A_148 = tpu.memref_slice %arg2[%dma_wait3A_146, %dma_wait3A_147] : memref<10240x128xf32, #tpu.memory_space<hbm>> -> memref<128x128xf32, #tpu.memory_space<hbm>>
      %dma_wait3A_149 = arith.constant 0 : i32
      %dma_wait3A_150 = arith.constant 0 : i32
      %dma_wait3A_151 = tpu.memref_slice %arg2[%dma_wait3A_149, %dma_wait3A_150] : memref<10240x128xf32, #tpu.memory_space<hbm>> -> memref<128x128xf32, #tpu.memory_space<hbm>>
      tpu.wait_dma2 semaphore(%arg20 : memref<!tpu.dma_semaphore, #tpu.memory_space<semaphore_mem>>) src(%dma_wait3A_151 : memref<128x128xf32, #tpu.memory_space<hbm>>) dst(%arg12 : memref<128x128xf32, #tpu.memory_space<vmem>>)
      tpu.wait_dma2 semaphore(%arg20 : memref<!tpu.dma_semaphore, #tpu.memory_space<semaphore_mem>>) src(%arg5 : memref<128xf32, #tpu.memory_space<hbm>>) dst(%arg14 : memref<128xf32, #tpu.memory_space<vmem>>)
      %add3A_152 = arith.constant 128 : i32
      %add3A_153 = arith.addi %add3A_134, %add3A_152 : i32
      "tpu.region"() ({
        %run_scoped3A = tpu.sem_alloc : memref<!tpu.dma_semaphore, #tpu.memory_space<semaphore_mem>>
        %dma_start3A_181 = tpu.memref_slice %arg3[%add3A_153] : memref<323584xi32, #tpu.memory_space<hbm>> -> memref<128xi32, #tpu.memory_space<hbm>>
        %dma_start3A_182 = tpu.memref_slice %arg3[%add3A_153] : memref<323584xi32, #tpu.memory_space<hbm>> -> memref<128xi32, #tpu.memory_space<hbm>>
        tpu.enqueue_dma source(%dma_start3A_182 : memref<128xi32, #tpu.memory_space<hbm>>) target(%arg8 : memref<128xi32, #tpu.memory_space<vmem>>) target_semaphore(%run_scoped3A : memref<!tpu.dma_semaphore, #tpu.memory_space<semaphore_mem>>)
        %dma_wait3A_183 = tpu.memref_slice %arg3[%add3A_153] : memref<323584xi32, #tpu.memory_space<hbm>> -> memref<128xi32, #tpu.memory_space<hbm>>
        %dma_wait3A_184 = tpu.memref_slice %arg3[%add3A_153] : memref<323584xi32, #tpu.memory_space<hbm>> -> memref<128xi32, #tpu.memory_space<hbm>>
        tpu.wait_dma2 semaphore(%run_scoped3A : memref<!tpu.dma_semaphore, #tpu.memory_space<semaphore_mem>>) src(%dma_wait3A_184 : memref<128xi32, #tpu.memory_space<hbm>>) dst(%arg8 : memref<128xi32, #tpu.memory_space<vmem>>)
        tpu.yield
      }) : () -> ()
      "tpu.region"() ({
        %run_scoped3A = tpu.sem_alloc : memref<!tpu.dma_semaphore, #tpu.memory_space<semaphore_mem>>
        %dma_start3A_181 = tpu.memref_slice %arg4[%add3A_153] : memref<323584xi32, #tpu.memory_space<hbm>> -> memref<128xi32, #tpu.memory_space<hbm>>
        %dma_start3A_182 = tpu.memref_slice %arg4[%add3A_153] : memref<323584xi32, #tpu.memory_space<hbm>> -> memref<128xi32, #tpu.memory_space<hbm>>
        tpu.enqueue_dma source(%dma_start3A_182 : memref<128xi32, #tpu.memory_space<hbm>>) target(%arg9 : memref<128xi32, #tpu.memory_space<vmem>>) target_semaphore(%run_scoped3A : memref<!tpu.dma_semaphore, #tpu.memory_space<semaphore_mem>>)
        %dma_wait3A_183 = tpu.memref_slice %arg4[%add3A_153] : memref<323584xi32, #tpu.memory_space<hbm>> -> memref<128xi32, #tpu.memory_space<hbm>>
        %dma_wait3A_184 = tpu.memref_slice %arg4[%add3A_153] : memref<323584xi32, #tpu.memory_space<hbm>> -> memref<128xi32, #tpu.memory_space<hbm>>
        tpu.wait_dma2 semaphore(%run_scoped3A : memref<!tpu.dma_semaphore, #tpu.memory_space<semaphore_mem>>) src(%dma_wait3A_184 : memref<128xi32, #tpu.memory_space<hbm>>) dst(%arg9 : memref<128xi32, #tpu.memory_space<vmem>>)
        tpu.yield
      }) : () -> ()
      %dma_start3A_154 = arith.constant 0 : i32
      %dma_start3A_155 = arith.constant 0 : i32
      %dma_start3A_156 = tpu.memref_slice %arg2[%dma_start3A_154, %dma_start3A_155] : memref<10240x128xf32, #tpu.memory_space<hbm>> -> memref<10240x128xf32, #tpu.memory_space<hbm>>
      tpu.enqueue_indirect_dma source(%dma_start3A_156 : memref<10240x128xf32, #tpu.memory_space<hbm>>) target(%arg12 : memref<128x128xf32, #tpu.memory_space<vmem>>) offsets(%arg8 : memref<128xi32, #tpu.memory_space<vmem>>) semaphore(%arg18 : memref<!tpu.dma_semaphore, #tpu.memory_space<semaphore_mem>>)
      %add3A_157 = arith.constant 128 : i32
      %add3A_158 = arith.addi %add3A_134, %add3A_157 : i32
      %dma_wait3A_159 = arith.constant 0 : i32
      %dma_wait3A_160 = arith.constant 0 : i32
      %dma_wait3A_161 = tpu.memref_slice %arg2[%dma_wait3A_159, %dma_wait3A_160] : memref<10240x128xf32, #tpu.memory_space<hbm>> -> memref<128x128xf32, #tpu.memory_space<hbm>>
      %dma_wait3A_162 = arith.constant 0 : i32
      %dma_wait3A_163 = arith.constant 0 : i32
      %dma_wait3A_164 = tpu.memref_slice %arg2[%dma_wait3A_162, %dma_wait3A_163] : memref<10240x128xf32, #tpu.memory_space<hbm>> -> memref<128x128xf32, #tpu.memory_space<hbm>>
      tpu.wait_dma2 semaphore(%arg18 : memref<!tpu.dma_semaphore, #tpu.memory_space<semaphore_mem>>) src(%dma_wait3A_164 : memref<128x128xf32, #tpu.memory_space<hbm>>) dst(%arg12 : memref<128x128xf32, #tpu.memory_space<vmem>>)
      %dma_start3A_165 = arith.constant 0 : i32
      %dma_start3A_166 = arith.constant 0 : i32
      %dma_start3A_167 = tpu.memref_slice %arg16[%dma_start3A_165, %dma_start3A_166] : memref<10240x128xf32, #tpu.memory_space<vmem_shared>> -> memref<10240x128xf32, #tpu.memory_space<vmem_shared>>
      tpu.enqueue_indirect_dma source(%arg12 : memref<128x128xf32, #tpu.memory_space<vmem>>) target(%dma_start3A_167 : memref<10240x128xf32, #tpu.memory_space<vmem_shared>>) offsets(%arg9 : memref<128xi32, #tpu.memory_space<vmem>>) semaphore(%arg20 : memref<!tpu.dma_semaphore, #tpu.memory_space<semaphore_mem>>) {add = true}
      %dma_start3A_168 = arith.constant 0 : i32
      %dma_start3A_169 = tpu.memref_slice %arg17[%dma_start3A_168] : memref<10240xf32, #tpu.memory_space<vmem_shared>> -> memref<10240xf32, #tpu.memory_space<vmem_shared>>
      tpu.enqueue_indirect_dma source(%arg14 : memref<128xf32, #tpu.memory_space<vmem>>) target(%dma_start3A_169 : memref<10240xf32, #tpu.memory_space<vmem_shared>>) offsets(%arg9 : memref<128xi32, #tpu.memory_space<vmem>>) semaphore(%arg20 : memref<!tpu.dma_semaphore, #tpu.memory_space<semaphore_mem>>) {add = true}
      %dma_wait3A_170 = arith.constant 0 : i32
      %dma_wait3A_171 = arith.constant 0 : i32
      %dma_wait3A_172 = tpu.memref_slice %arg2[%dma_wait3A_170, %dma_wait3A_171] : memref<10240x128xf32, #tpu.memory_space<hbm>> -> memref<128x128xf32, #tpu.memory_space<hbm>>
      %dma_wait3A_173 = arith.constant 0 : i32
      %dma_wait3A_174 = arith.constant 0 : i32
      %dma_wait3A_175 = tpu.memref_slice %arg2[%dma_wait3A_173, %dma_wait3A_174] : memref<10240x128xf32, #tpu.memory_space<hbm>> -> memref<128x128xf32, #tpu.memory_space<hbm>>
      tpu.wait_dma2 semaphore(%arg21 : memref<!tpu.dma_semaphore, #tpu.memory_space<semaphore_mem>>) src(%dma_wait3A_175 : memref<128x128xf32, #tpu.memory_space<hbm>>) dst(%arg13 : memref<128x128xf32, #tpu.memory_space<vmem>>)
      tpu.wait_dma2 semaphore(%arg21 : memref<!tpu.dma_semaphore, #tpu.memory_space<semaphore_mem>>) src(%arg5 : memref<128xf32, #tpu.memory_space<hbm>>) dst(%arg14 : memref<128xf32, #tpu.memory_space<vmem>>)
      %add3A_176 = arith.constant 128 : i32
      %add3A_177 = arith.addi %add3A_158, %add3A_176 : i32
      "tpu.region"() ({
        %run_scoped3A = tpu.sem_alloc : memref<!tpu.dma_semaphore, #tpu.memory_space<semaphore_mem>>
        %dma_start3A_181 = tpu.memref_slice %arg3[%add3A_177] : memref<323584xi32, #tpu.memory_space<hbm>> -> memref<128xi32, #tpu.memory_space<hbm>>
        %dma_start3A_182 = tpu.memref_slice %arg3[%add3A_177] : memref<323584xi32, #tpu.memory_space<hbm>> -> memref<128xi32, #tpu.memory_space<hbm>>
        tpu.enqueue_dma source(%dma_start3A_182 : memref<128xi32, #tpu.memory_space<hbm>>) target(%arg10 : memref<128xi32, #tpu.memory_space<vmem>>) target_semaphore(%run_scoped3A : memref<!tpu.dma_semaphore, #tpu.memory_space<semaphore_mem>>)
        %dma_wait3A_183 = tpu.memref_slice %arg3[%add3A_177] : memref<323584xi32, #tpu.memory_space<hbm>> -> memref<128xi32, #tpu.memory_space<hbm>>
        %dma_wait3A_184 = tpu.memref_slice %arg3[%add3A_177] : memref<323584xi32, #tpu.memory_space<hbm>> -> memref<128xi32, #tpu.memory_space<hbm>>
        tpu.wait_dma2 semaphore(%run_scoped3A : memref<!tpu.dma_semaphore, #tpu.memory_space<semaphore_mem>>) src(%dma_wait3A_184 : memref<128xi32, #tpu.memory_space<hbm>>) dst(%arg10 : memref<128xi32, #tpu.memory_space<vmem>>)
        tpu.yield
      }) : () -> ()
      "tpu.region"() ({
        %run_scoped3A = tpu.sem_alloc : memref<!tpu.dma_semaphore, #tpu.memory_space<semaphore_mem>>
        %dma_start3A_181 = tpu.memref_slice %arg4[%add3A_177] : memref<323584xi32, #tpu.memory_space<hbm>> -> memref<128xi32, #tpu.memory_space<hbm>>
        %dma_start3A_182 = tpu.memref_slice %arg4[%add3A_177] : memref<323584xi32, #tpu.memory_space<hbm>> -> memref<128xi32, #tpu.memory_space<hbm>>
        tpu.enqueue_dma source(%dma_start3A_182 : memref<128xi32, #tpu.memory_space<hbm>>) target(%arg11 : memref<128xi32, #tpu.memory_space<vmem>>) target_semaphore(%run_scoped3A : memref<!tpu.dma_semaphore, #tpu.memory_space<semaphore_mem>>)
        %dma_wait3A_183 = tpu.memref_slice %arg4[%add3A_177] : memref<323584xi32, #tpu.memory_space<hbm>> -> memref<128xi32, #tpu.memory_space<hbm>>
        %dma_wait3A_184 = tpu.memref_slice %arg4[%add3A_177] : memref<323584xi32, #tpu.memory_space<hbm>> -> memref<128xi32, #tpu.memory_space<hbm>>
        tpu.wait_dma2 semaphore(%run_scoped3A : memref<!tpu.dma_semaphore, #tpu.memory_space<semaphore_mem>>) src(%dma_wait3A_184 : memref<128xi32, #tpu.memory_space<hbm>>) dst(%arg11 : memref<128xi32, #tpu.memory_space<vmem>>)
        tpu.yield
      }) : () -> ()
      %dma_start3A_178 = arith.constant 0 : i32
      %dma_start3A_179 = arith.constant 0 : i32
      %dma_start3A_180 = tpu.memref_slice %arg2[%dma_start3A_178, %dma_start3A_179] : memref<10240x128xf32, #tpu.memory_space<hbm>> -> memref<10240x128xf32, #tpu.memory_space<hbm>>
      tpu.enqueue_indirect_dma source(%dma_start3A_180 : memref<10240x128xf32, #tpu.memory_space<hbm>>) target(%arg13 : memref<128x128xf32, #tpu.memory_space<vmem>>) offsets(%arg10 : memref<128xi32, #tpu.memory_space<vmem>>) semaphore(%arg19 : memref<!tpu.dma_semaphore, #tpu.memory_space<semaphore_mem>>)
    }
    %scan3A_67 = arith.constant 38 : i32
    %add3A_68 = arith.constant 9856 : i32
    %add3A_69 = arith.addi %mul3A_44, %add3A_68 : i32
    %dma_wait3A_70 = arith.constant 0 : i32
    %dma_wait3A_71 = arith.constant 0 : i32
    %dma_wait3A_72 = tpu.memref_slice %arg2[%dma_wait3A_70, %dma_wait3A_71] : memref<10240x128xf32, #tpu.memory_space<hbm>> -> memref<128x128xf32, #tpu.memory_space<hbm>>
    %dma_wait3A_73 = arith.constant 0 : i32
    %dma_wait3A_74 = arith.constant 0 : i32
    %dma_wait3A_75 = tpu.memref_slice %arg2[%dma_wait3A_73, %dma_wait3A_74] : memref<10240x128xf32, #tpu.memory_space<hbm>> -> memref<128x128xf32, #tpu.memory_space<hbm>>
    tpu.wait_dma2 semaphore(%arg19 : memref<!tpu.dma_semaphore, #tpu.memory_space<semaphore_mem>>) src(%dma_wait3A_75 : memref<128x128xf32, #tpu.memory_space<hbm>>) dst(%arg13 : memref<128x128xf32, #tpu.memory_space<vmem>>)
    %dma_start3A_76 = arith.constant 0 : i32
    %dma_start3A_77 = arith.constant 0 : i32
    %dma_start3A_78 = tpu.memref_slice %arg16[%dma_start3A_76, %dma_start3A_77] : memref<10240x128xf32, #tpu.memory_space<vmem_shared>> -> memref<10240x128xf32, #tpu.memory_space<vmem_shared>>
    tpu.enqueue_indirect_dma source(%arg13 : memref<128x128xf32, #tpu.memory_space<vmem>>) target(%dma_start3A_78 : memref<10240x128xf32, #tpu.memory_space<vmem_shared>>) offsets(%arg11 : memref<128xi32, #tpu.memory_space<vmem>>) semaphore(%arg21 : memref<!tpu.dma_semaphore, #tpu.memory_space<semaphore_mem>>) {add = true}
    %dma_start3A_79 = arith.constant 0 : i32
    %dma_start3A_80 = tpu.memref_slice %arg17[%dma_start3A_79] : memref<10240xf32, #tpu.memory_space<vmem_shared>> -> memref<10240xf32, #tpu.memory_space<vmem_shared>>
    tpu.enqueue_indirect_dma source(%arg14 : memref<128xf32, #tpu.memory_space<vmem>>) target(%dma_start3A_80 : memref<10240xf32, #tpu.memory_space<vmem_shared>>) offsets(%arg11 : memref<128xi32, #tpu.memory_space<vmem>>) semaphore(%arg21 : memref<!tpu.dma_semaphore, #tpu.memory_space<semaphore_mem>>) {add = true}
    %dma_wait3A_81 = arith.constant 0 : i32
    %dma_wait3A_82 = arith.constant 0 : i32
    %dma_wait3A_83 = tpu.memref_slice %arg2[%dma_wait3A_81, %dma_wait3A_82] : memref<10240x128xf32, #tpu.memory_space<hbm>> -> memref<128x128xf32, #tpu.memory_space<hbm>>
    %dma_wait3A_84 = arith.constant 0 : i32
    %dma_wait3A_85 = arith.constant 0 : i32
    %dma_wait3A_86 = tpu.memref_slice %arg2[%dma_wait3A_84, %dma_wait3A_85] : memref<10240x128xf32, #tpu.memory_space<hbm>> -> memref<128x128xf32, #tpu.memory_space<hbm>>
    tpu.wait_dma2 semaphore(%arg20 : memref<!tpu.dma_semaphore, #tpu.memory_space<semaphore_mem>>) src(%dma_wait3A_86 : memref<128x128xf32, #tpu.memory_space<hbm>>) dst(%arg12 : memref<128x128xf32, #tpu.memory_space<vmem>>)
    tpu.wait_dma2 semaphore(%arg20 : memref<!tpu.dma_semaphore, #tpu.memory_space<semaphore_mem>>) src(%arg5 : memref<128xf32, #tpu.memory_space<hbm>>) dst(%arg14 : memref<128xf32, #tpu.memory_space<vmem>>)
    %add3A_87 = arith.constant 128 : i32
    %add3A_88 = arith.addi %add3A_69, %add3A_87 : i32
    "tpu.region"() ({
      %run_scoped3A = tpu.sem_alloc : memref<!tpu.dma_semaphore, #tpu.memory_space<semaphore_mem>>
      %dma_start3A_127 = tpu.memref_slice %arg3[%add3A_88] : memref<323584xi32, #tpu.memory_space<hbm>> -> memref<128xi32, #tpu.memory_space<hbm>>
      %dma_start3A_128 = tpu.memref_slice %arg3[%add3A_88] : memref<323584xi32, #tpu.memory_space<hbm>> -> memref<128xi32, #tpu.memory_space<hbm>>
      tpu.enqueue_dma source(%dma_start3A_128 : memref<128xi32, #tpu.memory_space<hbm>>) target(%arg8 : memref<128xi32, #tpu.memory_space<vmem>>) target_semaphore(%run_scoped3A : memref<!tpu.dma_semaphore, #tpu.memory_space<semaphore_mem>>)
      %dma_wait3A_129 = tpu.memref_slice %arg3[%add3A_88] : memref<323584xi32, #tpu.memory_space<hbm>> -> memref<128xi32, #tpu.memory_space<hbm>>
      %dma_wait3A_130 = tpu.memref_slice %arg3[%add3A_88] : memref<323584xi32, #tpu.memory_space<hbm>> -> memref<128xi32, #tpu.memory_space<hbm>>
      tpu.wait_dma2 semaphore(%run_scoped3A : memref<!tpu.dma_semaphore, #tpu.memory_space<semaphore_mem>>) src(%dma_wait3A_130 : memref<128xi32, #tpu.memory_space<hbm>>) dst(%arg8 : memref<128xi32, #tpu.memory_space<vmem>>)
      tpu.yield
    }) : () -> ()
    "tpu.region"() ({
      %run_scoped3A = tpu.sem_alloc : memref<!tpu.dma_semaphore, #tpu.memory_space<semaphore_mem>>
      %dma_start3A_127 = tpu.memref_slice %arg4[%add3A_88] : memref<323584xi32, #tpu.memory_space<hbm>> -> memref<128xi32, #tpu.memory_space<hbm>>
      %dma_start3A_128 = tpu.memref_slice %arg4[%add3A_88] : memref<323584xi32, #tpu.memory_space<hbm>> -> memref<128xi32, #tpu.memory_space<hbm>>
      tpu.enqueue_dma source(%dma_start3A_128 : memref<128xi32, #tpu.memory_space<hbm>>) target(%arg9 : memref<128xi32, #tpu.memory_space<vmem>>) target_semaphore(%run_scoped3A : memref<!tpu.dma_semaphore, #tpu.memory_space<semaphore_mem>>)
      %dma_wait3A_129 = tpu.memref_slice %arg4[%add3A_88] : memref<323584xi32, #tpu.memory_space<hbm>> -> memref<128xi32, #tpu.memory_space<hbm>>
      %dma_wait3A_130 = tpu.memref_slice %arg4[%add3A_88] : memref<323584xi32, #tpu.memory_space<hbm>> -> memref<128xi32, #tpu.memory_space<hbm>>
      tpu.wait_dma2 semaphore(%run_scoped3A : memref<!tpu.dma_semaphore, #tpu.memory_space<semaphore_mem>>) src(%dma_wait3A_130 : memref<128xi32, #tpu.memory_space<hbm>>) dst(%arg9 : memref<128xi32, #tpu.memory_space<vmem>>)
      tpu.yield
    }) : () -> ()
    %dma_start3A_89 = arith.constant 0 : i32
    %dma_start3A_90 = arith.constant 0 : i32
    %dma_start3A_91 = tpu.memref_slice %arg2[%dma_start3A_89, %dma_start3A_90] : memref<10240x128xf32, #tpu.memory_space<hbm>> -> memref<10240x128xf32, #tpu.memory_space<hbm>>
    tpu.enqueue_indirect_dma source(%dma_start3A_91 : memref<10240x128xf32, #tpu.memory_space<hbm>>) target(%arg12 : memref<128x128xf32, #tpu.memory_space<vmem>>) offsets(%arg8 : memref<128xi32, #tpu.memory_space<vmem>>) semaphore(%arg18 : memref<!tpu.dma_semaphore, #tpu.memory_space<semaphore_mem>>)
    %add3A_92 = arith.constant 9984 : i32
    %add3A_93 = arith.addi %mul3A_44, %add3A_92 : i32
    %dma_wait3A_94 = arith.constant 0 : i32
    %dma_wait3A_95 = arith.constant 0 : i32
    %dma_wait3A_96 = tpu.memref_slice %arg2[%dma_wait3A_94, %dma_wait3A_95] : memref<10240x128xf32, #tpu.memory_space<hbm>> -> memref<128x128xf32, #tpu.memory_space<hbm>>
    %dma_wait3A_97 = arith.constant 0 : i32
    %dma_wait3A_98 = arith.constant 0 : i32
    %dma_wait3A_99 = tpu.memref_slice %arg2[%dma_wait3A_97, %dma_wait3A_98] : memref<10240x128xf32, #tpu.memory_space<hbm>> -> memref<128x128xf32, #tpu.memory_space<hbm>>
    tpu.wait_dma2 semaphore(%arg18 : memref<!tpu.dma_semaphore, #tpu.memory_space<semaphore_mem>>) src(%dma_wait3A_99 : memref<128x128xf32, #tpu.memory_space<hbm>>) dst(%arg12 : memref<128x128xf32, #tpu.memory_space<vmem>>)
    %dma_start3A_100 = arith.constant 0 : i32
    %dma_start3A_101 = arith.constant 0 : i32
    %dma_start3A_102 = tpu.memref_slice %arg16[%dma_start3A_100, %dma_start3A_101] : memref<10240x128xf32, #tpu.memory_space<vmem_shared>> -> memref<10240x128xf32, #tpu.memory_space<vmem_shared>>
    tpu.enqueue_indirect_dma source(%arg12 : memref<128x128xf32, #tpu.memory_space<vmem>>) target(%dma_start3A_102 : memref<10240x128xf32, #tpu.memory_space<vmem_shared>>) offsets(%arg9 : memref<128xi32, #tpu.memory_space<vmem>>) semaphore(%arg20 : memref<!tpu.dma_semaphore, #tpu.memory_space<semaphore_mem>>) {add = true}
    %dma_start3A_103 = arith.constant 0 : i32
    %dma_start3A_104 = tpu.memref_slice %arg17[%dma_start3A_103] : memref<10240xf32, #tpu.memory_space<vmem_shared>> -> memref<10240xf32, #tpu.memory_space<vmem_shared>>
    tpu.enqueue_indirect_dma source(%arg14 : memref<128xf32, #tpu.memory_space<vmem>>) target(%dma_start3A_104 : memref<10240xf32, #tpu.memory_space<vmem_shared>>) offsets(%arg9 : memref<128xi32, #tpu.memory_space<vmem>>) semaphore(%arg20 : memref<!tpu.dma_semaphore, #tpu.memory_space<semaphore_mem>>) {add = true}
    %dma_wait3A_105 = arith.constant 0 : i32
    %dma_wait3A_106 = arith.constant 0 : i32
    %dma_wait3A_107 = tpu.memref_slice %arg2[%dma_wait3A_105, %dma_wait3A_106] : memref<10240x128xf32, #tpu.memory_space<hbm>> -> memref<128x128xf32, #tpu.memory_space<hbm>>
    %dma_wait3A_108 = arith.constant 0 : i32
    %dma_wait3A_109 = arith.constant 0 : i32
    %dma_wait3A_110 = tpu.memref_slice %arg2[%dma_wait3A_108, %dma_wait3A_109] : memref<10240x128xf32, #tpu.memory_space<hbm>> -> memref<128x128xf32, #tpu.memory_space<hbm>>
    tpu.wait_dma2 semaphore(%arg20 : memref<!tpu.dma_semaphore, #tpu.memory_space<semaphore_mem>>) src(%dma_wait3A_110 : memref<128x128xf32, #tpu.memory_space<hbm>>) dst(%arg12 : memref<128x128xf32, #tpu.memory_space<vmem>>)
    tpu.wait_dma2 semaphore(%arg20 : memref<!tpu.dma_semaphore, #tpu.memory_space<semaphore_mem>>) src(%arg5 : memref<128xf32, #tpu.memory_space<hbm>>) dst(%arg14 : memref<128xf32, #tpu.memory_space<vmem>>)
    %dma_wait3A_111 = arith.constant 0 : i32
    %dma_wait3A_112 = arith.constant 0 : i32
    %dma_wait3A_113 = tpu.memref_slice %arg2[%dma_wait3A_111, %dma_wait3A_112] : memref<10240x128xf32, #tpu.memory_space<hbm>> -> memref<128x128xf32, #tpu.memory_space<hbm>>
    %dma_wait3A_114 = arith.constant 0 : i32
    %dma_wait3A_115 = arith.constant 0 : i32
    %dma_wait3A_116 = tpu.memref_slice %arg2[%dma_wait3A_114, %dma_wait3A_115] : memref<10240x128xf32, #tpu.memory_space<hbm>> -> memref<128x128xf32, #tpu.memory_space<hbm>>
    tpu.wait_dma2 semaphore(%arg21 : memref<!tpu.dma_semaphore, #tpu.memory_space<semaphore_mem>>) src(%dma_wait3A_116 : memref<128x128xf32, #tpu.memory_space<hbm>>) dst(%arg13 : memref<128x128xf32, #tpu.memory_space<vmem>>)
    tpu.wait_dma2 semaphore(%arg21 : memref<!tpu.dma_semaphore, #tpu.memory_space<semaphore_mem>>) src(%arg5 : memref<128xf32, #tpu.memory_space<hbm>>) dst(%arg14 : memref<128xf32, #tpu.memory_space<vmem>>)
    %barrier3A_117 = arith.constant 0 : index
    tpu.barrier barrier_id(%barrier3A_117)
    %mul3A_118 = arith.constant 10240 : i32
    %mul3A_119 = arith.muli %arg0, %mul3A_118 : i32
    %mul3A_120 = arith.constant 640 : i32
    %mul3A_121 = arith.muli %arg1, %mul3A_120 : i32
    %add3A_122 = arith.addi %mul3A_119, %mul3A_121 : i32
    %mul3A_123 = arith.constant 640 : i32
    %mul3A_124 = arith.muli %arg1, %mul3A_123 : i32
    "tpu.region"() ({
      %run_scoped3A = tpu.sem_alloc : memref<!tpu.dma_semaphore, #tpu.memory_space<semaphore_mem>>
      %dma_start3A_127 = arith.constant 0 : i32
      %dma_start3A_128 = tpu.memref_slice %arg6[%add3A_122, %dma_start3A_127] : memref<20480x128xf32, #tpu.memory_space<hbm>> -> memref<640x128xf32, #tpu.memory_space<hbm>>
      %dma_start3A_129 = arith.constant 0 : i32
      %dma_start3A_130 = tpu.memref_slice %arg16[%mul3A_124, %dma_start3A_129] : memref<10240x128xf32, #tpu.memory_space<vmem_shared>> -> memref<640x128xf32, #tpu.memory_space<vmem_shared>>
      tpu.enqueue_dma source(%dma_start3A_130 : memref<640x128xf32, #tpu.memory_space<vmem_shared>>) target(%dma_start3A_128 : memref<640x128xf32, #tpu.memory_space<hbm>>) target_semaphore(%run_scoped3A : memref<!tpu.dma_semaphore, #tpu.memory_space<semaphore_mem>>)
      %dma_wait3A_131 = arith.constant 0 : i32
      %dma_wait3A_132 = tpu.memref_slice %arg6[%add3A_122, %dma_wait3A_131] : memref<20480x128xf32, #tpu.memory_space<hbm>> -> memref<640x128xf32, #tpu.memory_space<hbm>>
      %dma_wait3A_133 = arith.constant 0 : i32
      %dma_wait3A_134 = tpu.memref_slice %arg16[%mul3A_124, %dma_wait3A_133] : memref<10240x128xf32, #tpu.memory_space<vmem_shared>> -> memref<640x128xf32, #tpu.memory_space<vmem_shared>>
      tpu.wait_dma2 semaphore(%run_scoped3A : memref<!tpu.dma_semaphore, #tpu.memory_space<semaphore_mem>>) src(%dma_wait3A_134 : memref<640x128xf32, #tpu.memory_space<vmem_shared>>) dst(%dma_wait3A_132 : memref<640x128xf32, #tpu.memory_space<hbm>>)
      tpu.yield
    }) : () -> ()
    %mul3A_125 = arith.constant 640 : i32
    %mul3A_126 = arith.muli %arg1, %mul3A_125 : i32
    "tpu.region"() ({
      %run_scoped3A = tpu.sem_alloc : memref<!tpu.dma_semaphore, #tpu.memory_space<semaphore_mem>>
      %dma_start3A_127 = tpu.memref_slice %arg7[%add3A_122] : memref<20480xf32, #tpu.memory_space<hbm>> -> memref<640xf32, #tpu.memory_space<hbm>>
      %dma_start3A_128 = tpu.memref_slice %arg17[%mul3A_126] : memref<10240xf32, #tpu.memory_space<vmem_shared>> -> memref<640xf32, #tpu.memory_space<vmem_shared>>
      tpu.enqueue_dma source(%dma_start3A_128 : memref<640xf32, #tpu.memory_space<vmem_shared>>) target(%dma_start3A_127 : memref<640xf32, #tpu.memory_space<hbm>>) target_semaphore(%run_scoped3A : memref<!tpu.dma_semaphore, #tpu.memory_space<semaphore_mem>>)
      %dma_wait3A_129 = tpu.memref_slice %arg7[%add3A_122] : memref<20480xf32, #tpu.memory_space<hbm>> -> memref<640xf32, #tpu.memory_space<hbm>>
      %dma_wait3A_130 = tpu.memref_slice %arg17[%mul3A_126] : memref<10240xf32, #tpu.memory_space<vmem_shared>> -> memref<640xf32, #tpu.memory_space<vmem_shared>>
      tpu.wait_dma2 semaphore(%run_scoped3A : memref<!tpu.dma_semaphore, #tpu.memory_space<semaphore_mem>>) src(%dma_wait3A_130 : memref<640xf32, #tpu.memory_space<vmem_shared>>) dst(%dma_wait3A_129 : memref<640xf32, #tpu.memory_space<hbm>>)
      tpu.yield
    }) : () -> ()
    return
  }
}

#map = affine_map<(d0, d1) -> (0, 0)>
#map1 = affine_map<(d0, d1) -> (0)>
module attributes {stable_mosaic.version = 14 : i64} {
  func.func @body(%arg0: i32, %arg1: i32, %arg2: memref<10240x128xf32, #tpu.memory_space<hbm>>, %arg3: memref<323584xi32, #tpu.memory_space<hbm>>, %arg4: memref<323584xi32, #tpu.memory_space<hbm>>, %arg5: memref<128xf32, #tpu.memory_space<hbm>>, %arg6: memref<20480x128xf32, #tpu.memory_space<hbm>>, %arg7: memref<128xi32, #tpu.memory_space<vmem>>, %arg8: memref<128xi32, #tpu.memory_space<vmem>>, %arg9: memref<128xi32, #tpu.memory_space<vmem>>, %arg10: memref<128xi32, #tpu.memory_space<vmem>>, %arg11: memref<128x128xf32, #tpu.memory_space<vmem>>, %arg12: memref<128x128xf32, #tpu.memory_space<vmem>>, %arg13: memref<128xf32, #tpu.memory_space<vmem>>, %arg14: memref<640xf32, #tpu.memory_space<vmem>>, %arg15: memref<10240x128xf32, #tpu.memory_space<vmem_shared>>, %arg16: memref<10240xf32, #tpu.memory_space<vmem_shared>>, %arg17: memref<!tpu.dma_semaphore, #tpu.memory_space<semaphore_mem>>, %arg18: memref<!tpu.dma_semaphore, #tpu.memory_space<semaphore_mem>>, %arg19: memref<!tpu.dma_semaphore, #tpu.memory_space<semaphore_mem>>, %arg20: memref<!tpu.dma_semaphore, #tpu.memory_space<semaphore_mem>>) attributes {dimension_semantics = [#tpu.dimension_semantics<core_parallel>, #tpu.dimension_semantics<subcore_parallel>], iteration_bounds = array<i64: 2, 16>, scalar_prefetch = 0 : i64, scratch_operands = 14 : i64, tpu.core_type = #tpu.core_type<sc_vector_subcore>, window_params = [{transform_indices = #map}, {transform_indices = #map1}, {transform_indices = #map1}, {transform_indices = #map1}, {transform_indices = #map}]} {
    %mul3A = arith.constant 16 : i32
    %mul3A_0 = arith.muli %arg0, %mul3A : i32
    %add3A = arith.addi %mul3A_0, %arg1 : i32
    %broadcast_in_dim3A = arith.constant 0.000000e+00 : f32
    %broadcast_in_dim3A_1 = vector.broadcast %broadcast_in_dim3A : f32 to vector<16xf32>
    %scan3A = arith.constant 0 : i32
    %scan3A_2 = arith.constant 0 : i32
    %scan3A_3 = arith.constant 1024 : i32
    %scan3A_4 = arith.addi %scan3A_2, %scan3A_3 : i32
    %scan3A_5 = arith.constant 1 : i32
    scf.for %scan3A_103 = %scan3A_2 to %scan3A_4 step %scan3A_5  : i32 {
      %jit3A = arith.constant 8 : i32
      %div3A = arith.divsi %scan3A_103, %jit3A : i32
      %sign3A = arith.constant 0 : i32
      %sign3A_104 = arith.cmpi sgt, %scan3A_103, %sign3A : i32
      %sign3A_105 = arith.extui %sign3A_104 : i1 to i32
      %sign3A_106 = arith.constant 0 : i32
      %sign3A_107 = arith.cmpi slt, %scan3A_103, %sign3A_106 : i32
      %sign3A_108 = arith.extui %sign3A_107 : i1 to i32
      %sign3A_109 = arith.subi %sign3A_105, %sign3A_108 : i32
      %sign3A_110 = arith.constant 0 : i32
      %sign3A_111 = arith.cmpi sgt, %jit3A, %sign3A_110 : i32
      %sign3A_112 = arith.extui %sign3A_111 : i1 to i32
      %sign3A_113 = arith.constant 0 : i32
      %sign3A_114 = arith.cmpi slt, %jit3A, %sign3A_113 : i32
      %sign3A_115 = arith.extui %sign3A_114 : i1 to i32
      %sign3A_116 = arith.subi %sign3A_112, %sign3A_115 : i32
      %ne3A = arith.cmpi ne, %sign3A_109, %sign3A_116 : i32
      %rem3A = arith.remsi %scan3A_103, %jit3A : i32
      %ne3A_117 = arith.constant 0 : i32
      %ne3A_118 = arith.cmpi ne, %rem3A, %ne3A_117 : i32
      %and3A = arith.andi %ne3A, %ne3A_118 : i1
      %sub3A = arith.constant 1 : i32
      %sub3A_119 = arith.subi %div3A, %sub3A : i32
      %select_n3A = arith.select %and3A, %sub3A_119, %div3A : i32
      %jit3A_120 = arith.constant 8 : i32
      %eq3A = arith.constant 0 : i32
      %eq3A_121 = arith.cmpi eq, %jit3A_120, %eq3A : i32
      %jit3A_122 = arith.constant 1 : i32
      %select_n3A_123 = arith.select %eq3A_121, %jit3A_122, %jit3A_120 : i32
      %rem3A_124 = arith.remsi %scan3A_103, %select_n3A_123 : i32
      %ne3A_125 = arith.constant 0 : i32
      %ne3A_126 = arith.cmpi ne, %rem3A_124, %ne3A_125 : i32
      %lt3A = arith.constant 0 : i32
      %lt3A_127 = arith.cmpi slt, %rem3A_124, %lt3A : i32
      %lt3A_128 = arith.constant 0 : i32
      %lt3A_129 = arith.cmpi slt, %select_n3A_123, %lt3A_128 : i32
      %ne3A_130 = arith.xori %lt3A_127, %lt3A_129 : i1
      %and3A_131 = arith.andi %ne3A_130, %ne3A_126 : i1
      %add3A_132 = arith.addi %rem3A_124, %select_n3A_123 : i32
      %select_n3A_133 = arith.select %and3A_131, %add3A_132, %rem3A_124 : i32
      %mul3A_134 = arith.constant 16 : i32
      %mul3A_135 = arith.muli %select_n3A_133, %mul3A_134 : i32
      %swap3A = arith.index_cast %select_n3A : i32 to index
      %swap3A_136 = arith.index_cast %mul3A_135 : i32 to index
      %swap3A_137 = tpu.vector_load %arg11[%swap3A, %swap3A_136] {strides = array<i32>} : memref<128x128xf32, #tpu.memory_space<vmem>>, vector<1x16xf32>,
      %swap3A_138 = vector.shape_cast %swap3A_137 : vector<1x16xf32> to vector<16xf32>
      %swap3A_139 = vector.shape_cast %broadcast_in_dim3A_1 : vector<16xf32> to vector<1x16xf32>
      tpu.vector_store %arg11[%swap3A, %swap3A_136], %swap3A_139 {strides = array<i32>} : memref<128x128xf32, #tpu.memory_space<vmem>>, vector<1x16xf32>,
    }
    %scan3A_6 = arith.constant 1024 : i32
    %mul3A_7 = arith.constant 640 : i32
    %mul3A_8 = arith.muli %arg1, %mul3A_7 : i32
    %add3A_9 = arith.constant 0 : i32
    %add3A_10 = arith.addi %mul3A_8, %add3A_9 : i32
    "tpu.region"() ({
      %run_scoped3A = tpu.sem_alloc : memref<!tpu.dma_semaphore, #tpu.memory_space<semaphore_mem>>
      %dma_start3A_103 = arith.constant 0 : i32
      %dma_start3A_104 = tpu.memref_slice %arg15[%add3A_10, %dma_start3A_103] : memref<10240x128xf32, #tpu.memory_space<vmem_shared>> -> memref<128x128xf32, #tpu.memory_space<vmem_shared>>
      %dma_start3A_105 = arith.constant 0 : i32
      %dma_start3A_106 = tpu.memref_slice %arg15[%add3A_10, %dma_start3A_105] : memref<10240x128xf32, #tpu.memory_space<vmem_shared>> -> memref<128x128xf32, #tpu.memory_space<vmem_shared>>
      tpu.enqueue_dma source(%arg11 : memref<128x128xf32, #tpu.memory_space<vmem>>) target(%dma_start3A_106 : memref<128x128xf32, #tpu.memory_space<vmem_shared>>) target_semaphore(%run_scoped3A : memref<!tpu.dma_semaphore, #tpu.memory_space<semaphore_mem>>)
      %dma_wait3A_107 = arith.constant 0 : i32
      %dma_wait3A_108 = tpu.memref_slice %arg15[%add3A_10, %dma_wait3A_107] : memref<10240x128xf32, #tpu.memory_space<vmem_shared>> -> memref<128x128xf32, #tpu.memory_space<vmem_shared>>
      %dma_wait3A_109 = arith.constant 0 : i32
      %dma_wait3A_110 = tpu.memref_slice %arg15[%add3A_10, %dma_wait3A_109] : memref<10240x128xf32, #tpu.memory_space<vmem_shared>> -> memref<128x128xf32, #tpu.memory_space<vmem_shared>>
      tpu.wait_dma2 semaphore(%run_scoped3A : memref<!tpu.dma_semaphore, #tpu.memory_space<semaphore_mem>>) src(%arg11 : memref<128x128xf32, #tpu.memory_space<vmem>>) dst(%dma_wait3A_110 : memref<128x128xf32, #tpu.memory_space<vmem_shared>>)
      tpu.yield
    }) : () -> ()
    %mul3A_11 = arith.constant 640 : i32
    %mul3A_12 = arith.muli %arg1, %mul3A_11 : i32
    %add3A_13 = arith.constant 128 : i32
    %add3A_14 = arith.addi %mul3A_12, %add3A_13 : i32
    "tpu.region"() ({
      %run_scoped3A = tpu.sem_alloc : memref<!tpu.dma_semaphore, #tpu.memory_space<semaphore_mem>>
      %dma_start3A_103 = arith.constant 0 : i32
      %dma_start3A_104 = tpu.memref_slice %arg15[%add3A_14, %dma_start3A_103] : memref<10240x128xf32, #tpu.memory_space<vmem_shared>> -> memref<128x128xf32, #tpu.memory_space<vmem_shared>>
      %dma_start3A_105 = arith.constant 0 : i32
      %dma_start3A_106 = tpu.memref_slice %arg15[%add3A_14, %dma_start3A_105] : memref<10240x128xf32, #tpu.memory_space<vmem_shared>> -> memref<128x128xf32, #tpu.memory_space<vmem_shared>>
      tpu.enqueue_dma source(%arg11 : memref<128x128xf32, #tpu.memory_space<vmem>>) target(%dma_start3A_106 : memref<128x128xf32, #tpu.memory_space<vmem_shared>>) target_semaphore(%run_scoped3A : memref<!tpu.dma_semaphore, #tpu.memory_space<semaphore_mem>>)
      %dma_wait3A_107 = arith.constant 0 : i32
      %dma_wait3A_108 = tpu.memref_slice %arg15[%add3A_14, %dma_wait3A_107] : memref<10240x128xf32, #tpu.memory_space<vmem_shared>> -> memref<128x128xf32, #tpu.memory_space<vmem_shared>>
      %dma_wait3A_109 = arith.constant 0 : i32
      %dma_wait3A_110 = tpu.memref_slice %arg15[%add3A_14, %dma_wait3A_109] : memref<10240x128xf32, #tpu.memory_space<vmem_shared>> -> memref<128x128xf32, #tpu.memory_space<vmem_shared>>
      tpu.wait_dma2 semaphore(%run_scoped3A : memref<!tpu.dma_semaphore, #tpu.memory_space<semaphore_mem>>) src(%arg11 : memref<128x128xf32, #tpu.memory_space<vmem>>) dst(%dma_wait3A_110 : memref<128x128xf32, #tpu.memory_space<vmem_shared>>)
      tpu.yield
    }) : () -> ()
    %mul3A_15 = arith.constant 640 : i32
    %mul3A_16 = arith.muli %arg1, %mul3A_15 : i32
    %add3A_17 = arith.constant 256 : i32
    %add3A_18 = arith.addi %mul3A_16, %add3A_17 : i32
    "tpu.region"() ({
      %run_scoped3A = tpu.sem_alloc : memref<!tpu.dma_semaphore, #tpu.memory_space<semaphore_mem>>
      %dma_start3A_103 = arith.constant 0 : i32
      %dma_start3A_104 = tpu.memref_slice %arg15[%add3A_18, %dma_start3A_103] : memref<10240x128xf32, #tpu.memory_space<vmem_shared>> -> memref<128x128xf32, #tpu.memory_space<vmem_shared>>
      %dma_start3A_105 = arith.constant 0 : i32
      %dma_start3A_106 = tpu.memref_slice %arg15[%add3A_18, %dma_start3A_105] : memref<10240x128xf32, #tpu.memory_space<vmem_shared>> -> memref<128x128xf32, #tpu.memory_space<vmem_shared>>
      tpu.enqueue_dma source(%arg11 : memref<128x128xf32, #tpu.memory_space<vmem>>) target(%dma_start3A_106 : memref<128x128xf32, #tpu.memory_space<vmem_shared>>) target_semaphore(%run_scoped3A : memref<!tpu.dma_semaphore, #tpu.memory_space<semaphore_mem>>)
      %dma_wait3A_107 = arith.constant 0 : i32
      %dma_wait3A_108 = tpu.memref_slice %arg15[%add3A_18, %dma_wait3A_107] : memref<10240x128xf32, #tpu.memory_space<vmem_shared>> -> memref<128x128xf32, #tpu.memory_space<vmem_shared>>
      %dma_wait3A_109 = arith.constant 0 : i32
      %dma_wait3A_110 = tpu.memref_slice %arg15[%add3A_18, %dma_wait3A_109] : memref<10240x128xf32, #tpu.memory_space<vmem_shared>> -> memref<128x128xf32, #tpu.memory_space<vmem_shared>>
      tpu.wait_dma2 semaphore(%run_scoped3A : memref<!tpu.dma_semaphore, #tpu.memory_space<semaphore_mem>>) src(%arg11 : memref<128x128xf32, #tpu.memory_space<vmem>>) dst(%dma_wait3A_110 : memref<128x128xf32, #tpu.memory_space<vmem_shared>>)
      tpu.yield
    }) : () -> ()
    %mul3A_19 = arith.constant 640 : i32
    %mul3A_20 = arith.muli %arg1, %mul3A_19 : i32
    %add3A_21 = arith.constant 384 : i32
    %add3A_22 = arith.addi %mul3A_20, %add3A_21 : i32
    "tpu.region"() ({
      %run_scoped3A = tpu.sem_alloc : memref<!tpu.dma_semaphore, #tpu.memory_space<semaphore_mem>>
      %dma_start3A_103 = arith.constant 0 : i32
      %dma_start3A_104 = tpu.memref_slice %arg15[%add3A_22, %dma_start3A_103] : memref<10240x128xf32, #tpu.memory_space<vmem_shared>> -> memref<128x128xf32, #tpu.memory_space<vmem_shared>>
      %dma_start3A_105 = arith.constant 0 : i32
      %dma_start3A_106 = tpu.memref_slice %arg15[%add3A_22, %dma_start3A_105] : memref<10240x128xf32, #tpu.memory_space<vmem_shared>> -> memref<128x128xf32, #tpu.memory_space<vmem_shared>>
      tpu.enqueue_dma source(%arg11 : memref<128x128xf32, #tpu.memory_space<vmem>>) target(%dma_start3A_106 : memref<128x128xf32, #tpu.memory_space<vmem_shared>>) target_semaphore(%run_scoped3A : memref<!tpu.dma_semaphore, #tpu.memory_space<semaphore_mem>>)
      %dma_wait3A_107 = arith.constant 0 : i32
      %dma_wait3A_108 = tpu.memref_slice %arg15[%add3A_22, %dma_wait3A_107] : memref<10240x128xf32, #tpu.memory_space<vmem_shared>> -> memref<128x128xf32, #tpu.memory_space<vmem_shared>>
      %dma_wait3A_109 = arith.constant 0 : i32
      %dma_wait3A_110 = tpu.memref_slice %arg15[%add3A_22, %dma_wait3A_109] : memref<10240x128xf32, #tpu.memory_space<vmem_shared>> -> memref<128x128xf32, #tpu.memory_space<vmem_shared>>
      tpu.wait_dma2 semaphore(%run_scoped3A : memref<!tpu.dma_semaphore, #tpu.memory_space<semaphore_mem>>) src(%arg11 : memref<128x128xf32, #tpu.memory_space<vmem>>) dst(%dma_wait3A_110 : memref<128x128xf32, #tpu.memory_space<vmem_shared>>)
      tpu.yield
    }) : () -> ()
    %mul3A_23 = arith.constant 640 : i32
    %mul3A_24 = arith.muli %arg1, %mul3A_23 : i32
    %add3A_25 = arith.constant 512 : i32
    %add3A_26 = arith.addi %mul3A_24, %add3A_25 : i32
    "tpu.region"() ({
      %run_scoped3A = tpu.sem_alloc : memref<!tpu.dma_semaphore, #tpu.memory_space<semaphore_mem>>
      %dma_start3A_103 = arith.constant 0 : i32
      %dma_start3A_104 = tpu.memref_slice %arg15[%add3A_26, %dma_start3A_103] : memref<10240x128xf32, #tpu.memory_space<vmem_shared>> -> memref<128x128xf32, #tpu.memory_space<vmem_shared>>
      %dma_start3A_105 = arith.constant 0 : i32
      %dma_start3A_106 = tpu.memref_slice %arg15[%add3A_26, %dma_start3A_105] : memref<10240x128xf32, #tpu.memory_space<vmem_shared>> -> memref<128x128xf32, #tpu.memory_space<vmem_shared>>
      tpu.enqueue_dma source(%arg11 : memref<128x128xf32, #tpu.memory_space<vmem>>) target(%dma_start3A_106 : memref<128x128xf32, #tpu.memory_space<vmem_shared>>) target_semaphore(%run_scoped3A : memref<!tpu.dma_semaphore, #tpu.memory_space<semaphore_mem>>)
      %dma_wait3A_107 = arith.constant 0 : i32
      %dma_wait3A_108 = tpu.memref_slice %arg15[%add3A_26, %dma_wait3A_107] : memref<10240x128xf32, #tpu.memory_space<vmem_shared>> -> memref<128x128xf32, #tpu.memory_space<vmem_shared>>
      %dma_wait3A_109 = arith.constant 0 : i32
      %dma_wait3A_110 = tpu.memref_slice %arg15[%add3A_26, %dma_wait3A_109] : memref<10240x128xf32, #tpu.memory_space<vmem_shared>> -> memref<128x128xf32, #tpu.memory_space<vmem_shared>>
      tpu.wait_dma2 semaphore(%run_scoped3A : memref<!tpu.dma_semaphore, #tpu.memory_space<semaphore_mem>>) src(%arg11 : memref<128x128xf32, #tpu.memory_space<vmem>>) dst(%dma_wait3A_110 : memref<128x128xf32, #tpu.memory_space<vmem_shared>>)
      tpu.yield
    }) : () -> ()
    %barrier3A = arith.constant 0 : index
    tpu.barrier barrier_id(%barrier3A)
    %mul3A_27 = arith.constant 10112 : i32
    %mul3A_28 = arith.muli %add3A, %mul3A_27 : i32
    "tpu.region"() ({
      %run_scoped3A = tpu.sem_alloc : memref<!tpu.dma_semaphore, #tpu.memory_space<semaphore_mem>>
      %dma_start3A_103 = tpu.memref_slice %arg3[%mul3A_28] : memref<323584xi32, #tpu.memory_space<hbm>> -> memref<128xi32, #tpu.memory_space<hbm>>
      %dma_start3A_104 = tpu.memref_slice %arg3[%mul3A_28] : memref<323584xi32, #tpu.memory_space<hbm>> -> memref<128xi32, #tpu.memory_space<hbm>>
      tpu.enqueue_dma source(%dma_start3A_104 : memref<128xi32, #tpu.memory_space<hbm>>) target(%arg7 : memref<128xi32, #tpu.memory_space<vmem>>) target_semaphore(%run_scoped3A : memref<!tpu.dma_semaphore, #tpu.memory_space<semaphore_mem>>)
      %dma_wait3A_105 = tpu.memref_slice %arg3[%mul3A_28] : memref<323584xi32, #tpu.memory_space<hbm>> -> memref<128xi32, #tpu.memory_space<hbm>>
      %dma_wait3A_106 = tpu.memref_slice %arg3[%mul3A_28] : memref<323584xi32, #tpu.memory_space<hbm>> -> memref<128xi32, #tpu.memory_space<hbm>>
      tpu.wait_dma2 semaphore(%run_scoped3A : memref<!tpu.dma_semaphore, #tpu.memory_space<semaphore_mem>>) src(%dma_wait3A_106 : memref<128xi32, #tpu.memory_space<hbm>>) dst(%arg7 : memref<128xi32, #tpu.memory_space<vmem>>)
      tpu.yield
    }) : () -> ()
    "tpu.region"() ({
      %run_scoped3A = tpu.sem_alloc : memref<!tpu.dma_semaphore, #tpu.memory_space<semaphore_mem>>
      %dma_start3A_103 = tpu.memref_slice %arg4[%mul3A_28] : memref<323584xi32, #tpu.memory_space<hbm>> -> memref<128xi32, #tpu.memory_space<hbm>>
      %dma_start3A_104 = tpu.memref_slice %arg4[%mul3A_28] : memref<323584xi32, #tpu.memory_space<hbm>> -> memref<128xi32, #tpu.memory_space<hbm>>
      tpu.enqueue_dma source(%dma_start3A_104 : memref<128xi32, #tpu.memory_space<hbm>>) target(%arg8 : memref<128xi32, #tpu.memory_space<vmem>>) target_semaphore(%run_scoped3A : memref<!tpu.dma_semaphore, #tpu.memory_space<semaphore_mem>>)
      %dma_wait3A_105 = tpu.memref_slice %arg4[%mul3A_28] : memref<323584xi32, #tpu.memory_space<hbm>> -> memref<128xi32, #tpu.memory_space<hbm>>
      %dma_wait3A_106 = tpu.memref_slice %arg4[%mul3A_28] : memref<323584xi32, #tpu.memory_space<hbm>> -> memref<128xi32, #tpu.memory_space<hbm>>
      tpu.wait_dma2 semaphore(%run_scoped3A : memref<!tpu.dma_semaphore, #tpu.memory_space<semaphore_mem>>) src(%dma_wait3A_106 : memref<128xi32, #tpu.memory_space<hbm>>) dst(%arg8 : memref<128xi32, #tpu.memory_space<vmem>>)
      tpu.yield
    }) : () -> ()
    %dma_start3A = arith.constant 0 : i32
    %dma_start3A_29 = arith.constant 0 : i32
    %dma_start3A_30 = tpu.memref_slice %arg2[%dma_start3A, %dma_start3A_29] : memref<10240x128xf32, #tpu.memory_space<hbm>> -> memref<10240x128xf32, #tpu.memory_space<hbm>>
    tpu.enqueue_indirect_dma source(%dma_start3A_30 : memref<10240x128xf32, #tpu.memory_space<hbm>>) target(%arg11 : memref<128x128xf32, #tpu.memory_space<vmem>>) offsets(%arg7 : memref<128xi32, #tpu.memory_space<vmem>>) semaphore(%arg17 : memref<!tpu.dma_semaphore, #tpu.memory_space<semaphore_mem>>)
    %dma_wait3A = arith.constant 0 : i32
    %dma_wait3A_31 = arith.constant 0 : i32
    %dma_wait3A_32 = tpu.memref_slice %arg2[%dma_wait3A, %dma_wait3A_31] : memref<10240x128xf32, #tpu.memory_space<hbm>> -> memref<128x128xf32, #tpu.memory_space<hbm>>
    %dma_wait3A_33 = arith.constant 0 : i32
    %dma_wait3A_34 = arith.constant 0 : i32
    %dma_wait3A_35 = tpu.memref_slice %arg2[%dma_wait3A_33, %dma_wait3A_34] : memref<10240x128xf32, #tpu.memory_space<hbm>> -> memref<128x128xf32, #tpu.memory_space<hbm>>
    tpu.wait_dma2 semaphore(%arg17 : memref<!tpu.dma_semaphore, #tpu.memory_space<semaphore_mem>>) src(%dma_wait3A_35 : memref<128x128xf32, #tpu.memory_space<hbm>>) dst(%arg11 : memref<128x128xf32, #tpu.memory_space<vmem>>)
    %dma_start3A_36 = arith.constant 0 : i32
    %dma_start3A_37 = arith.constant 0 : i32
    %dma_start3A_38 = tpu.memref_slice %arg15[%dma_start3A_36, %dma_start3A_37] : memref<10240x128xf32, #tpu.memory_space<vmem_shared>> -> memref<10240x128xf32, #tpu.memory_space<vmem_shared>>
    tpu.enqueue_indirect_dma source(%arg11 : memref<128x128xf32, #tpu.memory_space<vmem>>) target(%dma_start3A_38 : memref<10240x128xf32, #tpu.memory_space<vmem_shared>>) offsets(%arg8 : memref<128xi32, #tpu.memory_space<vmem>>) semaphore(%arg19 : memref<!tpu.dma_semaphore, #tpu.memory_space<semaphore_mem>>) {add = true}
    %add3A_39 = arith.constant 128 : i32
    %add3A_40 = arith.addi %mul3A_28, %add3A_39 : i32
    "tpu.region"() ({
      %run_scoped3A = tpu.sem_alloc : memref<!tpu.dma_semaphore, #tpu.memory_space<semaphore_mem>>
      %dma_start3A_103 = tpu.memref_slice %arg3[%add3A_40] : memref<323584xi32, #tpu.memory_space<hbm>> -> memref<128xi32, #tpu.memory_space<hbm>>
      %dma_start3A_104 = tpu.memref_slice %arg3[%add3A_40] : memref<323584xi32, #tpu.memory_space<hbm>> -> memref<128xi32, #tpu.memory_space<hbm>>
      tpu.enqueue_dma source(%dma_start3A_104 : memref<128xi32, #tpu.memory_space<hbm>>) target(%arg9 : memref<128xi32, #tpu.memory_space<vmem>>) target_semaphore(%run_scoped3A : memref<!tpu.dma_semaphore, #tpu.memory_space<semaphore_mem>>)
      %dma_wait3A_105 = tpu.memref_slice %arg3[%add3A_40] : memref<323584xi32, #tpu.memory_space<hbm>> -> memref<128xi32, #tpu.memory_space<hbm>>
      %dma_wait3A_106 = tpu.memref_slice %arg3[%add3A_40] : memref<323584xi32, #tpu.memory_space<hbm>> -> memref<128xi32, #tpu.memory_space<hbm>>
      tpu.wait_dma2 semaphore(%run_scoped3A : memref<!tpu.dma_semaphore, #tpu.memory_space<semaphore_mem>>) src(%dma_wait3A_106 : memref<128xi32, #tpu.memory_space<hbm>>) dst(%arg9 : memref<128xi32, #tpu.memory_space<vmem>>)
      tpu.yield
    }) : () -> ()
    "tpu.region"() ({
      %run_scoped3A = tpu.sem_alloc : memref<!tpu.dma_semaphore, #tpu.memory_space<semaphore_mem>>
      %dma_start3A_103 = tpu.memref_slice %arg4[%add3A_40] : memref<323584xi32, #tpu.memory_space<hbm>> -> memref<128xi32, #tpu.memory_space<hbm>>
      %dma_start3A_104 = tpu.memref_slice %arg4[%add3A_40] : memref<323584xi32, #tpu.memory_space<hbm>> -> memref<128xi32, #tpu.memory_space<hbm>>
      tpu.enqueue_dma source(%dma_start3A_104 : memref<128xi32, #tpu.memory_space<hbm>>) target(%arg10 : memref<128xi32, #tpu.memory_space<vmem>>) target_semaphore(%run_scoped3A : memref<!tpu.dma_semaphore, #tpu.memory_space<semaphore_mem>>)
      %dma_wait3A_105 = tpu.memref_slice %arg4[%add3A_40] : memref<323584xi32, #tpu.memory_space<hbm>> -> memref<128xi32, #tpu.memory_space<hbm>>
      %dma_wait3A_106 = tpu.memref_slice %arg4[%add3A_40] : memref<323584xi32, #tpu.memory_space<hbm>> -> memref<128xi32, #tpu.memory_space<hbm>>
      tpu.wait_dma2 semaphore(%run_scoped3A : memref<!tpu.dma_semaphore, #tpu.memory_space<semaphore_mem>>) src(%dma_wait3A_106 : memref<128xi32, #tpu.memory_space<hbm>>) dst(%arg10 : memref<128xi32, #tpu.memory_space<vmem>>)
      tpu.yield
    }) : () -> ()
    %dma_start3A_41 = arith.constant 0 : i32
    %dma_start3A_42 = arith.constant 0 : i32
    %dma_start3A_43 = tpu.memref_slice %arg2[%dma_start3A_41, %dma_start3A_42] : memref<10240x128xf32, #tpu.memory_space<hbm>> -> memref<10240x128xf32, #tpu.memory_space<hbm>>
    tpu.enqueue_indirect_dma source(%dma_start3A_43 : memref<10240x128xf32, #tpu.memory_space<hbm>>) target(%arg12 : memref<128x128xf32, #tpu.memory_space<vmem>>) offsets(%arg9 : memref<128xi32, #tpu.memory_space<vmem>>) semaphore(%arg18 : memref<!tpu.dma_semaphore, #tpu.memory_space<semaphore_mem>>)
    %scan3A_44 = arith.constant 0 : i32
    %scan3A_45 = arith.constant 0 : i32
    %scan3A_46 = arith.constant 38 : i32
    %scan3A_47 = arith.addi %scan3A_45, %scan3A_46 : i32
    %scan3A_48 = arith.constant 1 : i32
    scf.for %scan3A_103 = %scan3A_45 to %scan3A_47 step %scan3A_48  : i32 {
      %mul3A_104 = arith.constant 2 : i32
      %mul3A_105 = arith.muli %mul3A_104, %scan3A_103 : i32
      %add3A_106 = arith.constant 1 : i32
      %add3A_107 = arith.addi %mul3A_105, %add3A_106 : i32
      %mul3A_108 = arith.constant 128 : i32
      %mul3A_109 = arith.muli %add3A_107, %mul3A_108 : i32
      %add3A_110 = arith.addi %mul3A_28, %mul3A_109 : i32
      %dma_wait3A_111 = arith.constant 0 : i32
      %dma_wait3A_112 = arith.constant 0 : i32
      %dma_wait3A_113 = tpu.memref_slice %arg2[%dma_wait3A_111, %dma_wait3A_112] : memref<10240x128xf32, #tpu.memory_space<hbm>> -> memref<128x128xf32, #tpu.memory_space<hbm>>
      %dma_wait3A_114 = arith.constant 0 : i32
      %dma_wait3A_115 = arith.constant 0 : i32
      %dma_wait3A_116 = tpu.memref_slice %arg2[%dma_wait3A_114, %dma_wait3A_115] : memref<10240x128xf32, #tpu.memory_space<hbm>> -> memref<128x128xf32, #tpu.memory_space<hbm>>
      tpu.wait_dma2 semaphore(%arg18 : memref<!tpu.dma_semaphore, #tpu.memory_space<semaphore_mem>>) src(%dma_wait3A_116 : memref<128x128xf32, #tpu.memory_space<hbm>>) dst(%arg12 : memref<128x128xf32, #tpu.memory_space<vmem>>)
      %dma_start3A_117 = arith.constant 0 : i32
      %dma_start3A_118 = arith.constant 0 : i32
      %dma_start3A_119 = tpu.memref_slice %arg15[%dma_start3A_117, %dma_start3A_118] : memref<10240x128xf32, #tpu.memory_space<vmem_shared>> -> memref<10240x128xf32, #tpu.memory_space<vmem_shared>>
      tpu.enqueue_indirect_dma source(%arg12 : memref<128x128xf32, #tpu.memory_space<vmem>>) target(%dma_start3A_119 : memref<10240x128xf32, #tpu.memory_space<vmem_shared>>) offsets(%arg10 : memref<128xi32, #tpu.memory_space<vmem>>) semaphore(%arg20 : memref<!tpu.dma_semaphore, #tpu.memory_space<semaphore_mem>>) {add = true}
      %dma_wait3A_120 = arith.constant 0 : i32
      %dma_wait3A_121 = arith.constant 0 : i32
      %dma_wait3A_122 = tpu.memref_slice %arg2[%dma_wait3A_120, %dma_wait3A_121] : memref<10240x128xf32, #tpu.memory_space<hbm>> -> memref<128x128xf32, #tpu.memory_space<hbm>>
      %dma_wait3A_123 = arith.constant 0 : i32
      %dma_wait3A_124 = arith.constant 0 : i32
      %dma_wait3A_125 = tpu.memref_slice %arg2[%dma_wait3A_123, %dma_wait3A_124] : memref<10240x128xf32, #tpu.memory_space<hbm>> -> memref<128x128xf32, #tpu.memory_space<hbm>>
      tpu.wait_dma2 semaphore(%arg19 : memref<!tpu.dma_semaphore, #tpu.memory_space<semaphore_mem>>) src(%dma_wait3A_125 : memref<128x128xf32, #tpu.memory_space<hbm>>) dst(%arg11 : memref<128x128xf32, #tpu.memory_space<vmem>>)
      %add3A_126 = arith.constant 128 : i32
      %add3A_127 = arith.addi %add3A_110, %add3A_126 : i32
      "tpu.region"() ({
        %run_scoped3A = tpu.sem_alloc : memref<!tpu.dma_semaphore, #tpu.memory_space<semaphore_mem>>
        %dma_start3A_153 = tpu.memref_slice %arg3[%add3A_127] : memref<323584xi32, #tpu.memory_space<hbm>> -> memref<128xi32, #tpu.memory_space<hbm>>
        %dma_start3A_154 = tpu.memref_slice %arg3[%add3A_127] : memref<323584xi32, #tpu.memory_space<hbm>> -> memref<128xi32, #tpu.memory_space<hbm>>
        tpu.enqueue_dma source(%dma_start3A_154 : memref<128xi32, #tpu.memory_space<hbm>>) target(%arg7 : memref<128xi32, #tpu.memory_space<vmem>>) target_semaphore(%run_scoped3A : memref<!tpu.dma_semaphore, #tpu.memory_space<semaphore_mem>>)
        %dma_wait3A_155 = tpu.memref_slice %arg3[%add3A_127] : memref<323584xi32, #tpu.memory_space<hbm>> -> memref<128xi32, #tpu.memory_space<hbm>>
        %dma_wait3A_156 = tpu.memref_slice %arg3[%add3A_127] : memref<323584xi32, #tpu.memory_space<hbm>> -> memref<128xi32, #tpu.memory_space<hbm>>
        tpu.wait_dma2 semaphore(%run_scoped3A : memref<!tpu.dma_semaphore, #tpu.memory_space<semaphore_mem>>) src(%dma_wait3A_156 : memref<128xi32, #tpu.memory_space<hbm>>) dst(%arg7 : memref<128xi32, #tpu.memory_space<vmem>>)
        tpu.yield
      }) : () -> ()
      "tpu.region"() ({
        %run_scoped3A = tpu.sem_alloc : memref<!tpu.dma_semaphore, #tpu.memory_space<semaphore_mem>>
        %dma_start3A_153 = tpu.memref_slice %arg4[%add3A_127] : memref<323584xi32, #tpu.memory_space<hbm>> -> memref<128xi32, #tpu.memory_space<hbm>>
        %dma_start3A_154 = tpu.memref_slice %arg4[%add3A_127] : memref<323584xi32, #tpu.memory_space<hbm>> -> memref<128xi32, #tpu.memory_space<hbm>>
        tpu.enqueue_dma source(%dma_start3A_154 : memref<128xi32, #tpu.memory_space<hbm>>) target(%arg8 : memref<128xi32, #tpu.memory_space<vmem>>) target_semaphore(%run_scoped3A : memref<!tpu.dma_semaphore, #tpu.memory_space<semaphore_mem>>)
        %dma_wait3A_155 = tpu.memref_slice %arg4[%add3A_127] : memref<323584xi32, #tpu.memory_space<hbm>> -> memref<128xi32, #tpu.memory_space<hbm>>
        %dma_wait3A_156 = tpu.memref_slice %arg4[%add3A_127] : memref<323584xi32, #tpu.memory_space<hbm>> -> memref<128xi32, #tpu.memory_space<hbm>>
        tpu.wait_dma2 semaphore(%run_scoped3A : memref<!tpu.dma_semaphore, #tpu.memory_space<semaphore_mem>>) src(%dma_wait3A_156 : memref<128xi32, #tpu.memory_space<hbm>>) dst(%arg8 : memref<128xi32, #tpu.memory_space<vmem>>)
        tpu.yield
      }) : () -> ()
      %dma_start3A_128 = arith.constant 0 : i32
      %dma_start3A_129 = arith.constant 0 : i32
      %dma_start3A_130 = tpu.memref_slice %arg2[%dma_start3A_128, %dma_start3A_129] : memref<10240x128xf32, #tpu.memory_space<hbm>> -> memref<10240x128xf32, #tpu.memory_space<hbm>>
      tpu.enqueue_indirect_dma source(%dma_start3A_130 : memref<10240x128xf32, #tpu.memory_space<hbm>>) target(%arg11 : memref<128x128xf32, #tpu.memory_space<vmem>>) offsets(%arg7 : memref<128xi32, #tpu.memory_space<vmem>>) semaphore(%arg17 : memref<!tpu.dma_semaphore, #tpu.memory_space<semaphore_mem>>)
      %add3A_131 = arith.constant 128 : i32
      %add3A_132 = arith.addi %add3A_110, %add3A_131 : i32
      %dma_wait3A_133 = arith.constant 0 : i32
      %dma_wait3A_134 = arith.constant 0 : i32
      %dma_wait3A_135 = tpu.memref_slice %arg2[%dma_wait3A_133, %dma_wait3A_134] : memref<10240x128xf32, #tpu.memory_space<hbm>> -> memref<128x128xf32, #tpu.memory_space<hbm>>
      %dma_wait3A_136 = arith.constant 0 : i32
      %dma_wait3A_137 = arith.constant 0 : i32
      %dma_wait3A_138 = tpu.memref_slice %arg2[%dma_wait3A_136, %dma_wait3A_137] : memref<10240x128xf32, #tpu.memory_space<hbm>> -> memref<128x128xf32, #tpu.memory_space<hbm>>
      tpu.wait_dma2 semaphore(%arg17 : memref<!tpu.dma_semaphore, #tpu.memory_space<semaphore_mem>>) src(%dma_wait3A_138 : memref<128x128xf32, #tpu.memory_space<hbm>>) dst(%arg11 : memref<128x128xf32, #tpu.memory_space<vmem>>)
      %dma_start3A_139 = arith.constant 0 : i32
      %dma_start3A_140 = arith.constant 0 : i32
      %dma_start3A_141 = tpu.memref_slice %arg15[%dma_start3A_139, %dma_start3A_140] : memref<10240x128xf32, #tpu.memory_space<vmem_shared>> -> memref<10240x128xf32, #tpu.memory_space<vmem_shared>>
      tpu.enqueue_indirect_dma source(%arg11 : memref<128x128xf32, #tpu.memory_space<vmem>>) target(%dma_start3A_141 : memref<10240x128xf32, #tpu.memory_space<vmem_shared>>) offsets(%arg8 : memref<128xi32, #tpu.memory_space<vmem>>) semaphore(%arg19 : memref<!tpu.dma_semaphore, #tpu.memory_space<semaphore_mem>>) {add = true}
      %dma_wait3A_142 = arith.constant 0 : i32
      %dma_wait3A_143 = arith.constant 0 : i32
      %dma_wait3A_144 = tpu.memref_slice %arg2[%dma_wait3A_142, %dma_wait3A_143] : memref<10240x128xf32, #tpu.memory_space<hbm>> -> memref<128x128xf32, #tpu.memory_space<hbm>>
      %dma_wait3A_145 = arith.constant 0 : i32
      %dma_wait3A_146 = arith.constant 0 : i32
      %dma_wait3A_147 = tpu.memref_slice %arg2[%dma_wait3A_145, %dma_wait3A_146] : memref<10240x128xf32, #tpu.memory_space<hbm>> -> memref<128x128xf32, #tpu.memory_space<hbm>>
      tpu.wait_dma2 semaphore(%arg20 : memref<!tpu.dma_semaphore, #tpu.memory_space<semaphore_mem>>) src(%dma_wait3A_147 : memref<128x128xf32, #tpu.memory_space<hbm>>) dst(%arg12 : memref<128x128xf32, #tpu.memory_space<vmem>>)
      %add3A_148 = arith.constant 128 : i32
      %add3A_149 = arith.addi %add3A_132, %add3A_148 : i32
      "tpu.region"() ({
        %run_scoped3A = tpu.sem_alloc : memref<!tpu.dma_semaphore, #tpu.memory_space<semaphore_mem>>
        %dma_start3A_153 = tpu.memref_slice %arg3[%add3A_149] : memref<323584xi32, #tpu.memory_space<hbm>> -> memref<128xi32, #tpu.memory_space<hbm>>
        %dma_start3A_154 = tpu.memref_slice %arg3[%add3A_149] : memref<323584xi32, #tpu.memory_space<hbm>> -> memref<128xi32, #tpu.memory_space<hbm>>
        tpu.enqueue_dma source(%dma_start3A_154 : memref<128xi32, #tpu.memory_space<hbm>>) target(%arg9 : memref<128xi32, #tpu.memory_space<vmem>>) target_semaphore(%run_scoped3A : memref<!tpu.dma_semaphore, #tpu.memory_space<semaphore_mem>>)
        %dma_wait3A_155 = tpu.memref_slice %arg3[%add3A_149] : memref<323584xi32, #tpu.memory_space<hbm>> -> memref<128xi32, #tpu.memory_space<hbm>>
        %dma_wait3A_156 = tpu.memref_slice %arg3[%add3A_149] : memref<323584xi32, #tpu.memory_space<hbm>> -> memref<128xi32, #tpu.memory_space<hbm>>
        tpu.wait_dma2 semaphore(%run_scoped3A : memref<!tpu.dma_semaphore, #tpu.memory_space<semaphore_mem>>) src(%dma_wait3A_156 : memref<128xi32, #tpu.memory_space<hbm>>) dst(%arg9 : memref<128xi32, #tpu.memory_space<vmem>>)
        tpu.yield
      }) : () -> ()
      "tpu.region"() ({
        %run_scoped3A = tpu.sem_alloc : memref<!tpu.dma_semaphore, #tpu.memory_space<semaphore_mem>>
        %dma_start3A_153 = tpu.memref_slice %arg4[%add3A_149] : memref<323584xi32, #tpu.memory_space<hbm>> -> memref<128xi32, #tpu.memory_space<hbm>>
        %dma_start3A_154 = tpu.memref_slice %arg4[%add3A_149] : memref<323584xi32, #tpu.memory_space<hbm>> -> memref<128xi32, #tpu.memory_space<hbm>>
        tpu.enqueue_dma source(%dma_start3A_154 : memref<128xi32, #tpu.memory_space<hbm>>) target(%arg10 : memref<128xi32, #tpu.memory_space<vmem>>) target_semaphore(%run_scoped3A : memref<!tpu.dma_semaphore, #tpu.memory_space<semaphore_mem>>)
        %dma_wait3A_155 = tpu.memref_slice %arg4[%add3A_149] : memref<323584xi32, #tpu.memory_space<hbm>> -> memref<128xi32, #tpu.memory_space<hbm>>
        %dma_wait3A_156 = tpu.memref_slice %arg4[%add3A_149] : memref<323584xi32, #tpu.memory_space<hbm>> -> memref<128xi32, #tpu.memory_space<hbm>>
        tpu.wait_dma2 semaphore(%run_scoped3A : memref<!tpu.dma_semaphore, #tpu.memory_space<semaphore_mem>>) src(%dma_wait3A_156 : memref<128xi32, #tpu.memory_space<hbm>>) dst(%arg10 : memref<128xi32, #tpu.memory_space<vmem>>)
        tpu.yield
      }) : () -> ()
      %dma_start3A_150 = arith.constant 0 : i32
      %dma_start3A_151 = arith.constant 0 : i32
      %dma_start3A_152 = tpu.memref_slice %arg2[%dma_start3A_150, %dma_start3A_151] : memref<10240x128xf32, #tpu.memory_space<hbm>> -> memref<10240x128xf32, #tpu.memory_space<hbm>>
      tpu.enqueue_indirect_dma source(%dma_start3A_152 : memref<10240x128xf32, #tpu.memory_space<hbm>>) target(%arg12 : memref<128x128xf32, #tpu.memory_space<vmem>>) offsets(%arg9 : memref<128xi32, #tpu.memory_space<vmem>>) semaphore(%arg18 : memref<!tpu.dma_semaphore, #tpu.memory_space<semaphore_mem>>)
    }
    %scan3A_49 = arith.constant 38 : i32
    %add3A_50 = arith.constant 9856 : i32
    %add3A_51 = arith.addi %mul3A_28, %add3A_50 : i32
    %dma_wait3A_52 = arith.constant 0 : i32
    %dma_wait3A_53 = arith.constant 0 : i32
    %dma_wait3A_54 = tpu.memref_slice %arg2[%dma_wait3A_52, %dma_wait3A_53] : memref<10240x128xf32, #tpu.memory_space<hbm>> -> memref<128x128xf32, #tpu.memory_space<hbm>>
    %dma_wait3A_55 = arith.constant 0 : i32
    %dma_wait3A_56 = arith.constant 0 : i32
    %dma_wait3A_57 = tpu.memref_slice %arg2[%dma_wait3A_55, %dma_wait3A_56] : memref<10240x128xf32, #tpu.memory_space<hbm>> -> memref<128x128xf32, #tpu.memory_space<hbm>>
    tpu.wait_dma2 semaphore(%arg18 : memref<!tpu.dma_semaphore, #tpu.memory_space<semaphore_mem>>) src(%dma_wait3A_57 : memref<128x128xf32, #tpu.memory_space<hbm>>) dst(%arg12 : memref<128x128xf32, #tpu.memory_space<vmem>>)
    %dma_start3A_58 = arith.constant 0 : i32
    %dma_start3A_59 = arith.constant 0 : i32
    %dma_start3A_60 = tpu.memref_slice %arg15[%dma_start3A_58, %dma_start3A_59] : memref<10240x128xf32, #tpu.memory_space<vmem_shared>> -> memref<10240x128xf32, #tpu.memory_space<vmem_shared>>
    tpu.enqueue_indirect_dma source(%arg12 : memref<128x128xf32, #tpu.memory_space<vmem>>) target(%dma_start3A_60 : memref<10240x128xf32, #tpu.memory_space<vmem_shared>>) offsets(%arg10 : memref<128xi32, #tpu.memory_space<vmem>>) semaphore(%arg20 : memref<!tpu.dma_semaphore, #tpu.memory_space<semaphore_mem>>) {add = true}
    %dma_wait3A_61 = arith.constant 0 : i32
    %dma_wait3A_62 = arith.constant 0 : i32
    %dma_wait3A_63 = tpu.memref_slice %arg2[%dma_wait3A_61, %dma_wait3A_62] : memref<10240x128xf32, #tpu.memory_space<hbm>> -> memref<128x128xf32, #tpu.memory_space<hbm>>
    %dma_wait3A_64 = arith.constant 0 : i32
    %dma_wait3A_65 = arith.constant 0 : i32
    %dma_wait3A_66 = tpu.memref_slice %arg2[%dma_wait3A_64, %dma_wait3A_65] : memref<10240x128xf32, #tpu.memory_space<hbm>> -> memref<128x128xf32, #tpu.memory_space<hbm>>
    tpu.wait_dma2 semaphore(%arg19 : memref<!tpu.dma_semaphore, #tpu.memory_space<semaphore_mem>>) src(%dma_wait3A_66 : memref<128x128xf32, #tpu.memory_space<hbm>>) dst(%arg11 : memref<128x128xf32, #tpu.memory_space<vmem>>)
    %add3A_67 = arith.constant 128 : i32
    %add3A_68 = arith.addi %add3A_51, %add3A_67 : i32
    "tpu.region"() ({
      %run_scoped3A = tpu.sem_alloc : memref<!tpu.dma_semaphore, #tpu.memory_space<semaphore_mem>>
      %dma_start3A_103 = tpu.memref_slice %arg3[%add3A_68] : memref<323584xi32, #tpu.memory_space<hbm>> -> memref<128xi32, #tpu.memory_space<hbm>>
      %dma_start3A_104 = tpu.memref_slice %arg3[%add3A_68] : memref<323584xi32, #tpu.memory_space<hbm>> -> memref<128xi32, #tpu.memory_space<hbm>>
      tpu.enqueue_dma source(%dma_start3A_104 : memref<128xi32, #tpu.memory_space<hbm>>) target(%arg7 : memref<128xi32, #tpu.memory_space<vmem>>) target_semaphore(%run_scoped3A : memref<!tpu.dma_semaphore, #tpu.memory_space<semaphore_mem>>)
      %dma_wait3A_105 = tpu.memref_slice %arg3[%add3A_68] : memref<323584xi32, #tpu.memory_space<hbm>> -> memref<128xi32, #tpu.memory_space<hbm>>
      %dma_wait3A_106 = tpu.memref_slice %arg3[%add3A_68] : memref<323584xi32, #tpu.memory_space<hbm>> -> memref<128xi32, #tpu.memory_space<hbm>>
      tpu.wait_dma2 semaphore(%run_scoped3A : memref<!tpu.dma_semaphore, #tpu.memory_space<semaphore_mem>>) src(%dma_wait3A_106 : memref<128xi32, #tpu.memory_space<hbm>>) dst(%arg7 : memref<128xi32, #tpu.memory_space<vmem>>)
      tpu.yield
    }) : () -> ()
    "tpu.region"() ({
      %run_scoped3A = tpu.sem_alloc : memref<!tpu.dma_semaphore, #tpu.memory_space<semaphore_mem>>
      %dma_start3A_103 = tpu.memref_slice %arg4[%add3A_68] : memref<323584xi32, #tpu.memory_space<hbm>> -> memref<128xi32, #tpu.memory_space<hbm>>
      %dma_start3A_104 = tpu.memref_slice %arg4[%add3A_68] : memref<323584xi32, #tpu.memory_space<hbm>> -> memref<128xi32, #tpu.memory_space<hbm>>
      tpu.enqueue_dma source(%dma_start3A_104 : memref<128xi32, #tpu.memory_space<hbm>>) target(%arg8 : memref<128xi32, #tpu.memory_space<vmem>>) target_semaphore(%run_scoped3A : memref<!tpu.dma_semaphore, #tpu.memory_space<semaphore_mem>>)
      %dma_wait3A_105 = tpu.memref_slice %arg4[%add3A_68] : memref<323584xi32, #tpu.memory_space<hbm>> -> memref<128xi32, #tpu.memory_space<hbm>>
      %dma_wait3A_106 = tpu.memref_slice %arg4[%add3A_68] : memref<323584xi32, #tpu.memory_space<hbm>> -> memref<128xi32, #tpu.memory_space<hbm>>
      tpu.wait_dma2 semaphore(%run_scoped3A : memref<!tpu.dma_semaphore, #tpu.memory_space<semaphore_mem>>) src(%dma_wait3A_106 : memref<128xi32, #tpu.memory_space<hbm>>) dst(%arg8 : memref<128xi32, #tpu.memory_space<vmem>>)
      tpu.yield
    }) : () -> ()
    %dma_start3A_69 = arith.constant 0 : i32
    %dma_start3A_70 = arith.constant 0 : i32
    %dma_start3A_71 = tpu.memref_slice %arg2[%dma_start3A_69, %dma_start3A_70] : memref<10240x128xf32, #tpu.memory_space<hbm>> -> memref<10240x128xf32, #tpu.memory_space<hbm>>
    tpu.enqueue_indirect_dma source(%dma_start3A_71 : memref<10240x128xf32, #tpu.memory_space<hbm>>) target(%arg11 : memref<128x128xf32, #tpu.memory_space<vmem>>) offsets(%arg7 : memref<128xi32, #tpu.memory_space<vmem>>) semaphore(%arg17 : memref<!tpu.dma_semaphore, #tpu.memory_space<semaphore_mem>>)
    %add3A_72 = arith.constant 9984 : i32
    %add3A_73 = arith.addi %mul3A_28, %add3A_72 : i32
    %dma_wait3A_74 = arith.constant 0 : i32
    %dma_wait3A_75 = arith.constant 0 : i32
    %dma_wait3A_76 = tpu.memref_slice %arg2[%dma_wait3A_74, %dma_wait3A_75] : memref<10240x128xf32, #tpu.memory_space<hbm>> -> memref<128x128xf32, #tpu.memory_space<hbm>>
    %dma_wait3A_77 = arith.constant 0 : i32
    %dma_wait3A_78 = arith.constant 0 : i32
    %dma_wait3A_79 = tpu.memref_slice %arg2[%dma_wait3A_77, %dma_wait3A_78] : memref<10240x128xf32, #tpu.memory_space<hbm>> -> memref<128x128xf32, #tpu.memory_space<hbm>>
    tpu.wait_dma2 semaphore(%arg17 : memref<!tpu.dma_semaphore, #tpu.memory_space<semaphore_mem>>) src(%dma_wait3A_79 : memref<128x128xf32, #tpu.memory_space<hbm>>) dst(%arg11 : memref<128x128xf32, #tpu.memory_space<vmem>>)
    %dma_start3A_80 = arith.constant 0 : i32
    %dma_start3A_81 = arith.constant 0 : i32
    %dma_start3A_82 = tpu.memref_slice %arg15[%dma_start3A_80, %dma_start3A_81] : memref<10240x128xf32, #tpu.memory_space<vmem_shared>> -> memref<10240x128xf32, #tpu.memory_space<vmem_shared>>
    tpu.enqueue_indirect_dma source(%arg11 : memref<128x128xf32, #tpu.memory_space<vmem>>) target(%dma_start3A_82 : memref<10240x128xf32, #tpu.memory_space<vmem_shared>>) offsets(%arg8 : memref<128xi32, #tpu.memory_space<vmem>>) semaphore(%arg19 : memref<!tpu.dma_semaphore, #tpu.memory_space<semaphore_mem>>) {add = true}
    %dma_wait3A_83 = arith.constant 0 : i32
    %dma_wait3A_84 = arith.constant 0 : i32
    %dma_wait3A_85 = tpu.memref_slice %arg2[%dma_wait3A_83, %dma_wait3A_84] : memref<10240x128xf32, #tpu.memory_space<hbm>> -> memref<128x128xf32, #tpu.memory_space<hbm>>
    %dma_wait3A_86 = arith.constant 0 : i32
    %dma_wait3A_87 = arith.constant 0 : i32
    %dma_wait3A_88 = tpu.memref_slice %arg2[%dma_wait3A_86, %dma_wait3A_87] : memref<10240x128xf32, #tpu.memory_space<hbm>> -> memref<128x128xf32, #tpu.memory_space<hbm>>
    tpu.wait_dma2 semaphore(%arg19 : memref<!tpu.dma_semaphore, #tpu.memory_space<semaphore_mem>>) src(%dma_wait3A_88 : memref<128x128xf32, #tpu.memory_space<hbm>>) dst(%arg11 : memref<128x128xf32, #tpu.memory_space<vmem>>)
    %dma_wait3A_89 = arith.constant 0 : i32
    %dma_wait3A_90 = arith.constant 0 : i32
    %dma_wait3A_91 = tpu.memref_slice %arg2[%dma_wait3A_89, %dma_wait3A_90] : memref<10240x128xf32, #tpu.memory_space<hbm>> -> memref<128x128xf32, #tpu.memory_space<hbm>>
    %dma_wait3A_92 = arith.constant 0 : i32
    %dma_wait3A_93 = arith.constant 0 : i32
    %dma_wait3A_94 = tpu.memref_slice %arg2[%dma_wait3A_92, %dma_wait3A_93] : memref<10240x128xf32, #tpu.memory_space<hbm>> -> memref<128x128xf32, #tpu.memory_space<hbm>>
    tpu.wait_dma2 semaphore(%arg20 : memref<!tpu.dma_semaphore, #tpu.memory_space<semaphore_mem>>) src(%dma_wait3A_94 : memref<128x128xf32, #tpu.memory_space<hbm>>) dst(%arg12 : memref<128x128xf32, #tpu.memory_space<vmem>>)
    %barrier3A_95 = arith.constant 0 : index
    tpu.barrier barrier_id(%barrier3A_95)
    %mul3A_96 = arith.constant 10240 : i32
    %mul3A_97 = arith.muli %arg0, %mul3A_96 : i32
    %mul3A_98 = arith.constant 640 : i32
    %mul3A_99 = arith.muli %arg1, %mul3A_98 : i32
    %add3A_100 = arith.addi %mul3A_97, %mul3A_99 : i32
    %mul3A_101 = arith.constant 640 : i32
    %mul3A_102 = arith.muli %arg1, %mul3A_101 : i32
    "tpu.region"() ({
      %run_scoped3A = tpu.sem_alloc : memref<!tpu.dma_semaphore, #tpu.memory_space<semaphore_mem>>
      %dma_start3A_103 = arith.constant 0 : i32
      %dma_start3A_104 = tpu.memref_slice %arg6[%add3A_100, %dma_start3A_103] : memref<20480x128xf32, #tpu.memory_space<hbm>> -> memref<640x128xf32, #tpu.memory_space<hbm>>
      %dma_start3A_105 = arith.constant 0 : i32
      %dma_start3A_106 = tpu.memref_slice %arg15[%mul3A_102, %dma_start3A_105] : memref<10240x128xf32, #tpu.memory_space<vmem_shared>> -> memref<640x128xf32, #tpu.memory_space<vmem_shared>>
      tpu.enqueue_dma source(%dma_start3A_106 : memref<640x128xf32, #tpu.memory_space<vmem_shared>>) target(%dma_start3A_104 : memref<640x128xf32, #tpu.memory_space<hbm>>) target_semaphore(%run_scoped3A : memref<!tpu.dma_semaphore, #tpu.memory_space<semaphore_mem>>)
      %dma_wait3A_107 = arith.constant 0 : i32
      %dma_wait3A_108 = tpu.memref_slice %arg6[%add3A_100, %dma_wait3A_107] : memref<20480x128xf32, #tpu.memory_space<hbm>> -> memref<640x128xf32, #tpu.memory_space<hbm>>
      %dma_wait3A_109 = arith.constant 0 : i32
      %dma_wait3A_110 = tpu.memref_slice %arg15[%mul3A_102, %dma_wait3A_109] : memref<10240x128xf32, #tpu.memory_space<vmem_shared>> -> memref<640x128xf32, #tpu.memory_space<vmem_shared>>
      tpu.wait_dma2 semaphore(%run_scoped3A : memref<!tpu.dma_semaphore, #tpu.memory_space<semaphore_mem>>) src(%dma_wait3A_110 : memref<640x128xf32, #tpu.memory_space<vmem_shared>>) dst(%dma_wait3A_108 : memref<640x128xf32, #tpu.memory_space<hbm>>)
      tpu.yield
    }) : () -> ()
    return
  }
}

module attributes {stable_mosaic.version = 14 : i64} {
  func.func @body(%arg0: i32, %arg1: memref<512x128xf32, #tpu.memory_space<vmem>>, %arg2: memref<512x128xf32, #tpu.memory_space<vmem>>, %arg3: memref<128x128xf32, #tpu.memory_space<vmem>>, %arg4: memref<512x128xf32, #tpu.memory_space<vmem>>) attributes {dimension_semantics = [#tpu.dimension_semantics<arbitrary>], iteration_bounds = array<i64: 20>, scalar_prefetch = 0 : i64, scratch_operands = 0 : i64, tpu.core_type = #tpu.core_type<tc>, window_params = [{transform_indices = @transform_0, window_bounds = array<i64: 512, 128>}, {transform_indices = @transform_1, window_bounds = array<i64: 512, 128>}, {pipeline_mode = #tpu.pipeline_mode<synchronous>, transform_indices = @transform_2, window_bounds = array<i64: 128, 128>}, {transform_indices = @transform_3, window_bounds = array<i64: 512, 128>}]} {
    %get3A = arith.constant 0 : index
    %get3A_0 = arith.constant 0 : index
    %get3A_1 = vector.load %arg1[%get3A, %get3A_0] : memref<512x128xf32, #tpu.memory_space<vmem>>, vector<512x128xf32>
    %get3A_2 = arith.constant 0 : index
    %get3A_3 = arith.constant 0 : index
    %get3A_4 = vector.load %arg3[%get3A_2, %get3A_3] : memref<128x128xf32, #tpu.memory_space<vmem>>, vector<128x128xf32>
    %dot_general3A = arith.constant dense<0.000000e+00> : vector<512x128xf32>
    %dot_general3A_5 = tpu.matmul %get3A_1, %get3A_4, %dot_general3A {dimension_numbers = #tpu.dot_dimension_numbers<[1], [0], [0], [1], [0, 0, 1, 1], [], []>, transpose_lhs_hint = false} : vector<512x128xf32>, vector<128x128xf32>, vector<512x128xf32> -> vector<512x128xf32>
    %get3A_6 = arith.constant 0 : index
    %get3A_7 = arith.constant 0 : index
    %get3A_8 = vector.load %arg2[%get3A_6, %get3A_7] : memref<512x128xf32, #tpu.memory_space<vmem>>, vector<512x128xf32>
    %add3A = arith.addf %dot_general3A_5, %get3A_8 : vector<512x128xf32>
    %max3A = arith.constant 0.000000e+00 : f32
    %max3A_9 = vector.broadcast %max3A : f32 to vector<512x128xf32>
    %max3A_10 = arith.maximumf %add3A, %max3A_9 : vector<512x128xf32>
    %swap3A = arith.constant 0 : index
    %swap3A_11 = arith.constant 0 : index
    %swap3A_12 = vector.load %arg4[%swap3A, %swap3A_11] : memref<512x128xf32, #tpu.memory_space<vmem>>, vector<512x128xf32>
    tpu.vector_store %arg4[%swap3A, %swap3A_11], %max3A_10 {strides = array<i32>} : memref<512x128xf32, #tpu.memory_space<vmem>>, vector<512x128xf32>,
    return
  }
  func.func @transform_0(%arg0: i32) -> (i32, i32) {
    %c0_i32 = arith.constant 0 : i32
    %c0_i32_0 = arith.constant 0 : i32
    return %arg0, %c0_i32 : i32, i32
  }
  func.func @transform_1(%arg0: i32) -> (i32, i32) {
    %c0_i32 = arith.constant 0 : i32
    %c0_i32_0 = arith.constant 0 : i32
    return %arg0, %c0_i32 : i32, i32
  }
  func.func @transform_2(%arg0: i32) -> (i32, i32) {
    %c0_i32 = arith.constant 0 : i32
    %c0_i32_0 = arith.constant 0 : i32
    %c0_i32_1 = arith.constant 0 : i32
    return %c0_i32, %c0_i32_0 : i32, i32
  }
  func.func @transform_3(%arg0: i32) -> (i32, i32) {
    %c0_i32 = arith.constant 0 : i32
    %c0_i32_0 = arith.constant 0 : i32
    return %arg0, %c0_i32 : i32, i32
  }
}

module attributes {stable_mosaic.version = 14 : i64} {
  func.func @body(%arg0: i32, %arg1: memref<512x128xf32, #tpu.memory_space<vmem>>, %arg2: memref<512x128xf32, #tpu.memory_space<vmem>>, %arg3: memref<512x128xf32, #tpu.memory_space<vmem>>, %arg4: memref<512x1xf32, #tpu.memory_space<vmem>>, %arg5: memref<512x1xf32, #tpu.memory_space<vmem>>, %arg6: memref<128x128xf32, #tpu.memory_space<vmem>>, %arg7: memref<128x128xf32, #tpu.memory_space<vmem>>, %arg8: memref<512x128xf32, #tpu.memory_space<vmem>>, %arg9: memref<512x1xf32, #tpu.memory_space<vmem>>) attributes {dimension_semantics = [#tpu.dimension_semantics<arbitrary>], iteration_bounds = array<i64: 20>, scalar_prefetch = 0 : i64, scratch_operands = 0 : i64, tpu.core_type = #tpu.core_type<tc>, window_params = [{transform_indices = @transform_0, window_bounds = array<i64: 512, 128>}, {transform_indices = @transform_1, window_bounds = array<i64: 512, 128>}, {transform_indices = @transform_2, window_bounds = array<i64: 512, 128>}, {transform_indices = @transform_3, window_bounds = array<i64: 512, 1>}, {transform_indices = @transform_4, window_bounds = array<i64: 512, 1>}, {pipeline_mode = #tpu.pipeline_mode<synchronous>, transform_indices = @transform_5, window_bounds = array<i64: 128, 128>}, {pipeline_mode = #tpu.pipeline_mode<synchronous>, transform_indices = @transform_6, window_bounds = array<i64: 128, 128>}, {transform_indices = @transform_7, window_bounds = array<i64: 512, 128>}, {transform_indices = @transform_8, window_bounds = array<i64: 512, 1>}]} {
    %get3A = arith.constant 0 : index
    %get3A_0 = arith.constant 0 : index
    %get3A_1 = vector.load %arg4[%get3A, %get3A_0] : memref<512x1xf32, #tpu.memory_space<vmem>>, vector<512x1xf32>
    %get3A_2 = arith.constant 0 : index
    %get3A_3 = arith.constant 0 : index
    %get3A_4 = vector.load %arg5[%get3A_2, %get3A_3] : memref<512x1xf32, #tpu.memory_space<vmem>>, vector<512x1xf32>
    %add3A = arith.addf %get3A_1, %get3A_4 : vector<512x1xf32>
    %max3A = arith.constant 1.000000e+00 : f32
    %max3A_5 = vector.broadcast %max3A : f32 to vector<512x1xf32>
    %max3A_6 = arith.maximumf %add3A, %max3A_5 : vector<512x1xf32>
    %div3A = arith.constant 1.000000e+00 : f32
    %div3A_7 = vector.broadcast %div3A : f32 to vector<512x1xf32>
    %div3A_8 = arith.divf %div3A_7, %max3A_6 : vector<512x1xf32>
    %get3A_9 = arith.constant 0 : index
    %get3A_10 = arith.constant 0 : index
    %get3A_11 = vector.load %arg2[%get3A_9, %get3A_10] : memref<512x128xf32, #tpu.memory_space<vmem>>, vector<512x128xf32>
    %get3A_12 = arith.constant 0 : index
    %get3A_13 = arith.constant 0 : index
    %get3A_14 = vector.load %arg3[%get3A_12, %get3A_13] : memref<512x128xf32, #tpu.memory_space<vmem>>, vector<512x128xf32>
    %add3A_15 = arith.addf %get3A_11, %get3A_14 : vector<512x128xf32>
    %mul3A = vector.broadcast %div3A_8 : vector<512x1xf32> to vector<512x128xf32>
    %mul3A_16 = arith.mulf %add3A_15, %mul3A : vector<512x128xf32>
    %get3A_17 = arith.constant 0 : index
    %get3A_18 = arith.constant 0 : index
    %get3A_19 = vector.load %arg1[%get3A_17, %get3A_18] : memref<512x128xf32, #tpu.memory_space<vmem>>, vector<512x128xf32>
    %get3A_20 = arith.constant 0 : index
    %get3A_21 = arith.constant 0 : index
    %get3A_22 = vector.load %arg6[%get3A_20, %get3A_21] : memref<128x128xf32, #tpu.memory_space<vmem>>, vector<128x128xf32>
    %dot_general3A = arith.constant dense<0.000000e+00> : vector<512x128xf32>
    %dot_general3A_23 = tpu.matmul %get3A_19, %get3A_22, %dot_general3A {dimension_numbers = #tpu.dot_dimension_numbers<[1], [0], [0], [1], [0, 0, 1, 1], [], []>, transpose_lhs_hint = false} : vector<512x128xf32>, vector<128x128xf32>, vector<512x128xf32> -> vector<512x128xf32>
    %get3A_24 = arith.constant 0 : index
    %get3A_25 = arith.constant 0 : index
    %get3A_26 = vector.load %arg7[%get3A_24, %get3A_25] : memref<128x128xf32, #tpu.memory_space<vmem>>, vector<128x128xf32>
    %dot_general3A_27 = arith.constant dense<0.000000e+00> : vector<512x128xf32>
    %dot_general3A_28 = tpu.matmul %mul3A_16, %get3A_26, %dot_general3A_27 {dimension_numbers = #tpu.dot_dimension_numbers<[1], [0], [0], [1], [0, 0, 1, 1], [], []>, transpose_lhs_hint = false} : vector<512x128xf32>, vector<128x128xf32>, vector<512x128xf32> -> vector<512x128xf32>
    %add3A_29 = arith.addf %dot_general3A_23, %dot_general3A_28 : vector<512x128xf32>
    %max3A_30 = arith.constant 0.000000e+00 : f32
    %max3A_31 = vector.broadcast %max3A_30 : f32 to vector<512x128xf32>
    %max3A_32 = arith.maximumf %add3A_29, %max3A_31 : vector<512x128xf32>
    %swap3A = arith.constant 0 : index
    %swap3A_33 = arith.constant 0 : index
    %swap3A_34 = vector.load %arg8[%swap3A, %swap3A_33] : memref<512x128xf32, #tpu.memory_space<vmem>>, vector<512x128xf32>
    tpu.vector_store %arg8[%swap3A, %swap3A_33], %max3A_32 {strides = array<i32>} : memref<512x128xf32, #tpu.memory_space<vmem>>, vector<512x128xf32>,
    %swap3A_35 = arith.constant 0 : index
    %swap3A_36 = arith.constant 0 : index
    %swap3A_37 = vector.load %arg9[%swap3A_35, %swap3A_36] : memref<512x1xf32, #tpu.memory_space<vmem>>, vector<512x1xf32>
    tpu.vector_store %arg9[%swap3A_35, %swap3A_36], %div3A_8 {strides = array<i32>} : memref<512x1xf32, #tpu.memory_space<vmem>>, vector<512x1xf32>,
    return
  }
  func.func @transform_0(%arg0: i32) -> (i32, i32) {
    %c0_i32 = arith.constant 0 : i32
    %c0_i32_0 = arith.constant 0 : i32
    return %arg0, %c0_i32 : i32, i32
  }
  func.func @transform_1(%arg0: i32) -> (i32, i32) {
    %c0_i32 = arith.constant 0 : i32
    %c0_i32_0 = arith.constant 0 : i32
    return %arg0, %c0_i32 : i32, i32
  }
  func.func @transform_2(%arg0: i32) -> (i32, i32) {
    %c0_i32 = arith.constant 0 : i32
    %c0_i32_0 = arith.constant 0 : i32
    return %arg0, %c0_i32 : i32, i32
  }
  func.func @transform_3(%arg0: i32) -> (i32, i32) {
    %c0_i32 = arith.constant 0 : i32
    %c0_i32_0 = arith.constant 0 : i32
    return %arg0, %c0_i32 : i32, i32
  }
  func.func @transform_4(%arg0: i32) -> (i32, i32) {
    %c0_i32 = arith.constant 0 : i32
    %c0_i32_0 = arith.constant 0 : i32
    return %arg0, %c0_i32 : i32, i32
  }
  func.func @transform_5(%arg0: i32) -> (i32, i32) {
    %c0_i32 = arith.constant 0 : i32
    %c0_i32_0 = arith.constant 0 : i32
    %c0_i32_1 = arith.constant 0 : i32
    return %c0_i32, %c0_i32_0 : i32, i32
  }
  func.func @transform_6(%arg0: i32) -> (i32, i32) {
    %c0_i32 = arith.constant 0 : i32
    %c0_i32_0 = arith.constant 0 : i32
    %c0_i32_1 = arith.constant 0 : i32
    return %c0_i32, %c0_i32_0 : i32, i32
  }
  func.func @transform_7(%arg0: i32) -> (i32, i32) {
    %c0_i32 = arith.constant 0 : i32
    %c0_i32_0 = arith.constant 0 : i32
    return %arg0, %c0_i32 : i32, i32
  }
  func.func @transform_8(%arg0: i32) -> (i32, i32) {
    %c0_i32 = arith.constant 0 : i32
    %c0_i32_0 = arith.constant 0 : i32
    return %arg0, %c0_i32 : i32, i32
  }
}

module attributes {stable_mosaic.version = 14 : i64} {
  func.func @body(%arg0: i32, %arg1: memref<512x128xf32, #tpu.memory_space<vmem>>, %arg2: memref<512x128xf32, #tpu.memory_space<vmem>>, %arg3: memref<512x128xf32, #tpu.memory_space<vmem>>, %arg4: memref<512x1xf32, #tpu.memory_space<vmem>>, %arg5: memref<128x128xf32, #tpu.memory_space<vmem>>, %arg6: memref<128x128xf32, #tpu.memory_space<vmem>>, %arg7: memref<512x128xf32, #tpu.memory_space<vmem>>, %arg8: memref<128x128xf32, #tpu.memory_space<vmem>>, %arg9: memref<512x128xf32, #tpu.memory_space<vmem>>) attributes {dimension_semantics = [#tpu.dimension_semantics<arbitrary>], iteration_bounds = array<i64: 20>, scalar_prefetch = 0 : i64, scratch_operands = 0 : i64, tpu.core_type = #tpu.core_type<tc>, window_params = [{transform_indices = @transform_0, window_bounds = array<i64: 512, 128>}, {transform_indices = @transform_1, window_bounds = array<i64: 512, 128>}, {transform_indices = @transform_2, window_bounds = array<i64: 512, 128>}, {transform_indices = @transform_3, window_bounds = array<i64: 512, 1>}, {pipeline_mode = #tpu.pipeline_mode<synchronous>, transform_indices = @transform_4, window_bounds = array<i64: 128, 128>}, {pipeline_mode = #tpu.pipeline_mode<synchronous>, transform_indices = @transform_5, window_bounds = array<i64: 128, 128>}, {transform_indices = @transform_6, window_bounds = array<i64: 512, 128>}, {pipeline_mode = #tpu.pipeline_mode<synchronous>, transform_indices = @transform_7, window_bounds = array<i64: 128, 128>}, {transform_indices = @transform_8, window_bounds = array<i64: 512, 128>}]} {
    %get3A = arith.constant 0 : index
    %get3A_0 = arith.constant 0 : index
    %get3A_1 = vector.load %arg2[%get3A, %get3A_0] : memref<512x128xf32, #tpu.memory_space<vmem>>, vector<512x128xf32>
    %get3A_2 = arith.constant 0 : index
    %get3A_3 = arith.constant 0 : index
    %get3A_4 = vector.load %arg3[%get3A_2, %get3A_3] : memref<512x128xf32, #tpu.memory_space<vmem>>, vector<512x128xf32>
    %add3A = arith.addf %get3A_1, %get3A_4 : vector<512x128xf32>
    %get3A_5 = arith.constant 0 : index
    %get3A_6 = arith.constant 0 : index
    %get3A_7 = vector.load %arg4[%get3A_5, %get3A_6] : memref<512x1xf32, #tpu.memory_space<vmem>>, vector<512x1xf32>
    %mul3A = vector.broadcast %get3A_7 : vector<512x1xf32> to vector<512x128xf32>
    %mul3A_8 = arith.mulf %add3A, %mul3A : vector<512x128xf32>
    %get3A_9 = arith.constant 0 : index
    %get3A_10 = arith.constant 0 : index
    %get3A_11 = vector.load %arg1[%get3A_9, %get3A_10] : memref<512x128xf32, #tpu.memory_space<vmem>>, vector<512x128xf32>
    %get3A_12 = arith.constant 0 : index
    %get3A_13 = arith.constant 0 : index
    %get3A_14 = vector.load %arg5[%get3A_12, %get3A_13] : memref<128x128xf32, #tpu.memory_space<vmem>>, vector<128x128xf32>
    %dot_general3A = arith.constant dense<0.000000e+00> : vector<512x128xf32>
    %dot_general3A_15 = tpu.matmul %get3A_11, %get3A_14, %dot_general3A {dimension_numbers = #tpu.dot_dimension_numbers<[1], [0], [0], [1], [0, 0, 1, 1], [], []>, transpose_lhs_hint = false} : vector<512x128xf32>, vector<128x128xf32>, vector<512x128xf32> -> vector<512x128xf32>
    %get3A_16 = arith.constant 0 : index
    %get3A_17 = arith.constant 0 : index
    %get3A_18 = vector.load %arg6[%get3A_16, %get3A_17] : memref<128x128xf32, #tpu.memory_space<vmem>>, vector<128x128xf32>
    %dot_general3A_19 = arith.constant dense<0.000000e+00> : vector<512x128xf32>
    %dot_general3A_20 = tpu.matmul %mul3A_8, %get3A_18, %dot_general3A_19 {dimension_numbers = #tpu.dot_dimension_numbers<[1], [0], [0], [1], [0, 0, 1, 1], [], []>, transpose_lhs_hint = false} : vector<512x128xf32>, vector<128x128xf32>, vector<512x128xf32> -> vector<512x128xf32>
    %add3A_21 = arith.addf %dot_general3A_15, %dot_general3A_20 : vector<512x128xf32>
    %max3A = arith.constant 0.000000e+00 : f32
    %max3A_22 = vector.broadcast %max3A : f32 to vector<512x128xf32>
    %max3A_23 = arith.maximumf %add3A_21, %max3A_22 : vector<512x128xf32>
    %get3A_24 = arith.constant 0 : index
    %get3A_25 = arith.constant 0 : index
    %get3A_26 = vector.load %arg7[%get3A_24, %get3A_25] : memref<512x128xf32, #tpu.memory_space<vmem>>, vector<512x128xf32>
    %get3A_27 = arith.constant 0 : index
    %get3A_28 = arith.constant 0 : index
    %get3A_29 = vector.load %arg8[%get3A_27, %get3A_28] : memref<128x128xf32, #tpu.memory_space<vmem>>, vector<128x128xf32>
    %dot_general3A_30 = arith.constant dense<0.000000e+00> : vector<512x128xf32>
    %dot_general3A_31 = tpu.matmul %max3A_23, %get3A_29, %dot_general3A_30 {dimension_numbers = #tpu.dot_dimension_numbers<[1], [0], [0], [1], [0, 0, 1, 1], [], []>, transpose_lhs_hint = false} : vector<512x128xf32>, vector<128x128xf32>, vector<512x128xf32> -> vector<512x128xf32>
    %add3A_32 = arith.addf %get3A_26, %dot_general3A_31 : vector<512x128xf32>
    %swap3A = arith.constant 0 : index
    %swap3A_33 = arith.constant 0 : index
    %swap3A_34 = vector.load %arg9[%swap3A, %swap3A_33] : memref<512x128xf32, #tpu.memory_space<vmem>>, vector<512x128xf32>
    tpu.vector_store %arg9[%swap3A, %swap3A_33], %add3A_32 {strides = array<i32>} : memref<512x128xf32, #tpu.memory_space<vmem>>, vector<512x128xf32>,
    return
  }
  func.func @transform_0(%arg0: i32) -> (i32, i32) {
    %c0_i32 = arith.constant 0 : i32
    %c0_i32_0 = arith.constant 0 : i32
    return %arg0, %c0_i32 : i32, i32
  }
  func.func @transform_1(%arg0: i32) -> (i32, i32) {
    %c0_i32 = arith.constant 0 : i32
    %c0_i32_0 = arith.constant 0 : i32
    return %arg0, %c0_i32 : i32, i32
  }
  func.func @transform_2(%arg0: i32) -> (i32, i32) {
    %c0_i32 = arith.constant 0 : i32
    %c0_i32_0 = arith.constant 0 : i32
    return %arg0, %c0_i32 : i32, i32
  }
  func.func @transform_3(%arg0: i32) -> (i32, i32) {
    %c0_i32 = arith.constant 0 : i32
    %c0_i32_0 = arith.constant 0 : i32
    return %arg0, %c0_i32 : i32, i32
  }
  func.func @transform_4(%arg0: i32) -> (i32, i32) {
    %c0_i32 = arith.constant 0 : i32
    %c0_i32_0 = arith.constant 0 : i32
    %c0_i32_1 = arith.constant 0 : i32
    return %c0_i32, %c0_i32_0 : i32, i32
  }
  func.func @transform_5(%arg0: i32) -> (i32, i32) {
    %c0_i32 = arith.constant 0 : i32
    %c0_i32_0 = arith.constant 0 : i32
    %c0_i32_1 = arith.constant 0 : i32
    return %c0_i32, %c0_i32_0 : i32, i32
  }
  func.func @transform_6(%arg0: i32) -> (i32, i32) {
    %c0_i32 = arith.constant 0 : i32
    %c0_i32_0 = arith.constant 0 : i32
    return %arg0, %c0_i32 : i32, i32
  }
  func.func @transform_7(%arg0: i32) -> (i32, i32) {
    %c0_i32 = arith.constant 0 : i32
    %c0_i32_0 = arith.constant 0 : i32
    %c0_i32_1 = arith.constant 0 : i32
    return %c0_i32, %c0_i32_0 : i32, i32
  }
  func.func @transform_8(%arg0: i32) -> (i32, i32) {
    %c0_i32 = arith.constant 0 : i32
    %c0_i32_0 = arith.constant 0 : i32
    return %arg0, %c0_i32 : i32, i32
  }
}

</mosaic_0001>

<sc_bundles>
// kernel: kernel.10.cloned.1.call-start
scs
__scs_entry_jumppad:
0x0: {  	(pc) =	sbr.rel $0x88, $3  }
0x1: {  	(tag) =	ssettag $0x0;
	lr =	simm.s32 $0x1  }
0x2: {  	[smem:$0x3F98] =	sst lr;
	_ =	strace $0xD0000000  }
0x3: {  	_ = 	snop  }
0x4: {  	_ = 	snop  }
0x5: {  	_ = 	snop  }
0x6: {  	_ = 	snop  }
0x7: {  	_ = 	snop  }
__scs_overlays_trampoline_lowered:
0x8: {  	[smem:$0x3FA7] =	sst s0  }
0x9: {  	[smem:$0x3FA8] =	sst s1  }
0xa: {  	[smem:$0x3FA9] =	sst s2  }
0xb: {  	[smem:$0x3FAA] =	sst s3  }
0xc: {  	[smem:$0x3FAB] =	sst s4  }
0xd: {  	[smem:$0x3FAC] =	sst s5  }
0xe: {  	[smem:$0x3FAD] =	sst s6  }
0xf: {  	[smem:$0x3FAE] =	sst s7  }
0x10: {  	[smem:$0x3FAF] =	sst s8  }
0x11: {  	[smem:$0x3FB0] =	sst s9;
	s0 =	simm.s32 @!p0 $0x0  }
0x12: {  	s1 =	sld [smem:$0x3F96];
	s0 =	simm.s32 @p0 $0x1  }
0x13: {  	[smem:$0x3FB1] =	sst s0;
	s0 =	simm.s32 @!p1 $0x0  }
0x14: {  	s2 =	sld [smem:$0x3F95];
	s0 =	simm.s32 @p1 $0x1  }
0x15: {  	[smem:$0x3FB2] =	sst s0;
	s0 =	simm.s32 @!p2 $0x0  }
0x16: {  	s3 =	sld [smem:$0x3FDB];
	s0 =	simm.s32 @p2 $0x1  }
0x17: {  	s4 =	simm.s32 $0x1BF5;
	[smem:$0x3FB4] =	sst s0  }
0x18: {  	s0 =	sld [smem:$0x3F97];
	_ =	swait.ge [sflag:s4], $0x0  }
0x19: {  	s7 =	sld [smem:$0x3F98]  }
0x1a: {  	s8 =	sadd.s32 $0xFFFFE003, lr  }
0x1b: {  	s9 =	sadd.s32 $0xFFFFFEF7, lr;
	s5 =	simm.s32 $0xFFFFFFFF;
	p2 =	slt.u32 s8, $0xFFFFF086  }
0x1c: {  	p1 =	slt.u32 s9, $0xF7A;
	s5 =	simm.s32 @!p2 $0x0  }
0x1d: {  	s5 =	simm.s32 @p1 $0x1;
	p0 =	seq.s32 s7, s2  }
0x1e: {  	s7 =	smul.u32 @!p0 $0xF7A, s2;
	p2 =	seq.s32 @!p0 s5, $0x0  }
0x1f: {  	s9 =	smul.u32 $0xF7A, s1;
	s8 =	simm.s32 @!p0 $0x1BF5;
	p2 =	por !p2, p0  }
0x20: {  	[sflag:s8] =	ssyncset.s32 @!p0 $0xFFFFF086;
	s6 =	sadd.s32 @!p0 s3, s7;
	s7 =	simm.s32 @!p0 $0x108  }
0x21: {  	s3 =	sadd.s32 s3, s9;
	s6 =	sadd.s32 @!p0 $0x88, s6;
	s7 =	simm.s32 @p2 $0x1082  }
0x22: {  	[simem:s7], [sflag:s8] =	dma.local @!p0 [hbm:s6], $0xF7A  }
0x23: {  	s9 =	sor.u32 $0xD0000000, s2;
	s6 =	simm.s32 $0x108;
	_ =	swait.ge @!p0 [sflag:s8], $0x0  }
0x24: {  	s3 =	sadd.s32 $0x88, s3;
	s6 =	simm.s32 @!p1 $0x1082;
	[sflag:s4] =	ssyncset.s32 $0xFFFFF086  }
0x25: {  	[simem:s6], [sflag:s4] =	dma.local [hbm:s3], $0xF7A  }
0x26: {  	[smem:$0x3F98] =	sst s1;
	(tag) =	ssettag s2;
	_ =	strace s9  }
0x27: {  	s1 =	sld [smem:$0x3FA8]  }
0x28: {  	s2 =	sld [smem:$0x3FA9]  }
0x29: {  	s4 =	sld [smem:$0x3FAB]  }
0x2a: {  	p0 =	seq.s32 s5, $0x0;
	s5 =	sld [smem:$0x3FAC]  }
0x2b: {  	s6 =	sld [smem:$0x3FAD]  }
0x2c: {  	s7 =	sld [smem:$0x3FAE]  }
0x2d: {  	s3 =	simm.s32 $0x108;
	s8 =	sld [smem:$0x3FAF]  }
0x2e: {  	s3 =	simm.s32 @!p0 $0x1082;
	s9 =	sld [smem:$0x3FB0]  }
0x2f: {  	lr =	sadd.s32 s0, s3;
	s0 =	sld [smem:$0x3FA7]  }
0x30: {  	s3 =	sld [smem:$0x3FAA]  }
0x31: {  	[smem:$0x3FB3] =	sst s10  }
0x32: {  	s10 =	sld [smem:$0x3FB1];
	_ =	sdelay $0x3  }
0x33: {  	p0 =	seq.s32 s10, $0x1;
	s10 =	sld [smem:$0x3FB3];
	_ =	sdelay $0x3  }
0x34: {  	[smem:$0x3FB3] =	sst s10  }
0x35: {  	s10 =	sld [smem:$0x3FB2];
	_ =	sdelay $0x3  }
0x36: {  	p1 =	seq.s32 s10, $0x1;
	s10 =	sld [smem:$0x3FB3];
	_ =	sdelay $0x3  }
0x37: {  	[smem:$0x3FB3] =	sst s10  }
0x38: {  	s10 =	sld [smem:$0x3FB4]  }
0x39: {  	_ = 	snop;
	(pc) =	sbr.ind lr, $3  }
0x3a: {  	_ = 	snop  }
0x3b: {  	_ = 	snop  }
0x3c: {  	p2 =	seq.s32 s10, $0x1;
	s10 =	sld [smem:$0x3FB3]  }
0x3d: {  	_ =	shalt  }
0x3e: {  	_ =	shalt  }
0x3f: {  	_ =	shalt  }
0x40: {  	_ =	shalt  }
0x41: {  	_ =	shalt  }
0x42: {  	_ =	shalt  }
0x43: {  	_ =	shalt  }
0x44: {  	_ =	shalt  }
0x45: {  	_ =	shalt  }
0x46: {  	_ =	shalt  }
0x47: {  	_ =	shalt  }
0x48: {  	_ =	shalt  }
0x49: {  	_ =	shalt  }
0x4a: {  	_ =	shalt  }
0x4b: {  	_ =	shalt  }
0x4c: {  	_ =	shalt  }
0x4d: {  	_ =	shalt  }
0x4e: {  	_ =	shalt  }
0x4f: {  	_ =	shalt  }
0x50: {  	_ =	shalt  }
0x51: {  	_ =	shalt  }
0x52: {  	_ =	shalt  }
0x53: {  	_ =	shalt  }
0x54: {  	_ =	shalt  }
0x55: {  	_ =	shalt  }
0x56: {  	_ =	shalt  }
0x57: {  	_ =	shalt  }
0x58: {  	_ =	shalt  }
0x59: {  	_ =	shalt  }
0x5a: {  	_ =	shalt  }
0x5b: {  	_ =	shalt  }
0x5c: {  	_ =	shalt  }
0x5d: {  	_ =	shalt  }
0x5e: {  	_ =	shalt  }
0x5f: {  	_ =	shalt  }
0x60: {  	_ =	shalt  }
0x61: {  	_ =	shalt  }
0x62: {  	_ =	shalt  }
0x63: {  	_ =	shalt  }
0x64: {  	_ =	shalt  }
0x65: {  	_ =	shalt  }
0x66: {  	_ =	shalt  }
0x67: {  	_ =	shalt  }
0x68: {  	_ =	shalt  }
0x69: {  	_ =	shalt  }
0x6a: {  	_ =	shalt  }
0x6b: {  	_ =	shalt  }
0x6c: {  	_ =	shalt  }
0x6d: {  	_ =	shalt  }
0x6e: {  	_ =	shalt  }
0x6f: {  	_ =	shalt  }
0x70: {  	_ =	shalt  }
0x71: {  	_ =	shalt  }
0x72: {  	_ =	shalt  }
0x73: {  	_ =	shalt  }
0x74: {  	_ =	shalt  }
0x75: {  	_ =	shalt  }
0x76: {  	_ =	shalt  }
0x77: {  	_ =	shalt  }
0x78: {  	_ =	shalt  }
0x79: {  	_ =	shalt  }
0x7a: {  	_ =	shalt  }
0x7b: {  	_ =	shalt  }
0x7c: {  	_ =	shalt  }
0x7d: {  	_ =	shalt  }
0x7e: {  	_ =	shalt  }
0x7f: {  	_ =	shalt  }
0x80: {  	_ =	shalt  }
0x81: {  	_ =	shalt  }
0x82: {  	_ =	shalt  }
0x83: {  	_ =	shalt  }
0x84: {  	_ =	shalt  }
0x85: {  	_ =	shalt  }
0x86: {  	_ =	shalt  }
0x87: {  	_ =	shalt  }
.Lfunc_end0:
.L_simem_size_0:
called_computation.1_lowered:
.L_overlay_start_0:
0x88: {  	s2 =	sld [smem:$0x3FD9]  }
0x89: {  	s3 =	sld [smem:$0x3FFE];
	_ =	sdelay $0x1  }
0x8a: {  	s1 =	srdreg.scid  }
0x8b: {  	s0 =	sand.u32 $0x1, s1  }
0x8c: {  	s16 =	sshll.u32 s0, $0xA;
	s2 =	sadd.s32 s3, s2  }
0x8d: {  	s2 =	sadd.s32 s2, s16  }
0x8e: {  	[smem:$0x3FBF] =	sst s2  }
0x8f: {  	_ = 	snop  }
0x90: {  	(tm) =	ssettm $0x1  }
0x91: {  	s17 =	sld [smem:$0x3FFB];
	_ =	sdelay $0x3  }
0x92: {  	_ =	strace s17  }
0x93: {  	s2 =	sld [smem:$0x3FFC];
	_ =	sdelay $0x3  }
0x94: {  	_ =	strace s2  }
0x95: {  	s2 =	sld [smem:$0x3FFD];
	_ =	sdelay $0x3  }
0x96: {  	_ =	strace s2  }
0x97: {  	_ =	strace $0x8FFFFFFF  }
0x98: {  	s18 =	sld [smem:$0x3FDB];
	_ =	sdelay $0x1  }
0x99: {  	s19 =	simm.s32 $_scs_section_size  }
0x9a: {  	s4 =	simm.s32 $_size__tile_overlayer_lowered;
	s5 =	simm.s32 $_tile_overlayer_lowered  }
0x9b: {  	s22 =	simm.s32 $0x1BFF;
	s21 =	sshll.u32 s5, $0x1;
	s2 =	sadd.s32 s19, s18  }
0x9c: {  	s6 =	simm.s32 $0x0;
	s20 =	sshll.u32 s4, $0x1;
	s4 =	sadd.s32 s21, s2  }
0x9d: {  	[timem:s6], [sflag:s22] =	dma.local [hbm:s4], s20  }
0x9e: {  	_ =	swait.ge [sflag:s22], s20  }
0x9f: {  	s3 =	ssub.s32 $0x0, s20;
	[sflag:s22] =	ssyncset.done $0x0  }
0xa0: {  	[sflag:s22] =	ssyncadd.s32 s3;
	_ =	sdelay $0x1  }
0xa1: {  	s23 =	simm.s32 $0x1B8B  }
0xa2: {  	_ =	swait.ge [sflag:s23], $0x1  }
0xa3: {  	[sflag:s23] =	ssyncset.done $0x0  }
0xa4: {  	s25 =	simm.s32 $0x1B8E;
	s24 =	sld [smem:$0x3FFE];
	[sflag:s23] =	ssyncadd.s32 $0xFFFFFFFF  }
0xa5: {  	s26 =	simm.s32 $execute0_lowered;
	[smem:$0x3FD2] =	sst s25  }
0xa6: {  	s4 =	sshll.u32 s26, $0x1;
	_ =	strace $0x80000049;
	[dreg:$0x1] =	wrdreg $0xFFFFFFFF  }
0xa7: {  	s28 =	simm.s32 $_size_execute0_lowered;
	s2 =	sadd.s32 s2, s4;
	[dreg:$0x0] =	wrdreg $0x0  }
0xa8: {  	s4 =	sshll.u32 s28, $0x1;
	[dreg:$0x2] =	wrdreg s2  }
0xa9: {  	[dreg:$0x3] =	wrdreg s4  }
0xaa: {  	[dreg:$0x4] =	wrdreg $0xC0  }
0xab: {  	_ =	task [dreg:s6], $0x5FFFF  }
0xac: {  	[dreg:$0x1] =	wrdreg $0xFFFFFFFF  }
0xad: {  	[dreg:$0x0] =	wrdreg $0x60  }
0xae: {  	[dreg:$0x2] =	wrdreg s24  }
0xaf: {  	[dreg:$0x3] =	wrdreg $0x82000  }
0xb0: {  	[dreg:$0x4] =	wrdreg $0x9  }
0xb1: {  	_ =	task.clear_ibuf [dreg:s6], $0x5FFFF;
	_ =	strace $0x90000049  }
0xb2: {  	s29 =	simm.s32 $0x9;
	_ =	strace $0x8000004B  }
0xb3: {  	_ =	swait.ge [sflag:s29], $0x1  }
0xb4: {  	[sflag:s29] =	ssyncadd.s32 $0xFFFFFFFF  }
0xb5: {  	_ =	strace $0x9000004B  }
0xb6: {  	_ =	sfence  }
0xb7: {  	s30 =	sld [smem:$0x0];
	_ =	sdelay $0x2  }
0xb8: {  	s31 =	sshll.u32 s1, $0xD;
	s1 =	sshrl.u32 s1, $0x2  }
0xb9: {  	s3 =	sand.u32 $0x4000, s31;
	s1 =	sadd.s32 s1, s30  }
0xba: {  	s0 =	sor.u32 s3, s0;
	s1 =	sshll.u32 s1, $0x11  }
0xbb: {  	s0 =	sor.u32 s1, s0  }
0xbc: {  	s0 =	sadd.s32 $0x8F2B, s0  }
0xbd: {  	[sflag:s0] =	ssyncadd.remote.s32 $0x1  }
0xbe: {  	_ =	sfence.sel $0xFFFF  }
0xbf: {  	[dreg:$0x0] =	wrdreg $0xFFFFFFFF;
	(pc) =	sbr.abs _section_cstart, $3  }
0xc0: {  	[dreg:$0x1] =	wrdreg $0xFFFFFFFF  }
0xc1: {  	_ =	task.clear_ibuf [dreg:s6], $0x2FFFF;
	_ =	strace $0x9FFFFFFF  }
0xc2: {  	(tm) =	ssettm $0x7FFFFFFF  }
0xc3: {  	_ =	shalt  }
tec
execute0_lowered:
.L_overlay_start_1:
0x0: {  	(tag) =	ssettag $0x1  }
0x1: {  	s0 =	rddreg [dreg:$0x0]  }
0x2: {  	s2 =	rddreg [dreg:$0x1]  }
0x3: {  	s1 =	srdreg.scid;
	s12 =	stileid.u32  }
0x4: {  	s3 =	simm.s32 $0x0;
	s28 =	simm.s32 $0x100;
	s5 =	smul.u32 $0x2800, s12  }
0x5: {  	s29 =	simm.s32 $0x180;
	s30 =	simm.s32 $0x4200;
	s8 =	smul.u32 $0x50000, s12  }
0x6: {  	s31 =	simm.s32 $0x2;
	s1 =	sand.u32 $0x1, s1;
	s22 =	smul.u32 $0x2780, s12  }
0x7: {  	[smem:$0x7FF] =	sst s3;
	s4 =	sadd.s32 $0x3F200, s0;
	s6 =	smul.u32 $0x28000, s1  }
0x8: {  	_ =	strace $0x8000004A;
	s9 =	ssub.s32 $0x2, s1;
	s11 =	sshll.u32 s1, $0x4  }
0x9: {  	s1 =	smul.u32 $0x27800, s1;
	s8 =	sshrl.u32 s8, $0x2;
	s10 =	sshrl.u32 s9, $0x1  }
0xa: {  	s11 =	sor.u32 s12, s11;
	s7 =	sadd.s32 s5, s6;
	s5 =	sadd.s32 $0x2B600, s0  }
0xb: {  	s6 =	sadd.s32 $0x35400, s0;
	s13 =	ssub.s32 s9, s10;
	s18 =	smul.u32 $0x2780, s11  }
0xc: {  	s1 =	sadd.s32 s22, s1;
	s0 =	sadd.s32 s7, s0;
	s7 =	sadd.s32 s8, s2  }
0xd: {  	s10 =	sadd.s32 $0x180, s1;
	s22 =	sadd.s32 $0x100, s1;
	s1 =	simm.s32 $0x4  }
0xe: {  	s8 =	simm.s32 $0x0;
	s17 =	sadd.s32 $0x4000, s7;
	s19 =	sadd.s32 $0x8000, s7  }
0xf: {  	s20 =	sadd.s32 $0xC000, s7;
	s21 =	sadd.s32 $0x10000, s7;
	[dreg:$0x3] =	wrdreg s17  }
0x10: {  	s9 =	sshrl.u32 s18, $0x3;
	s18 =	sadd.s32 $0x8F400, s0;
	[dreg:$0x4] =	wrdreg s19  }
0x11: {  	s26 =	sshrl.u32 s10, $0x3;
	s0 =	simm.s32 $0x3;
	[dreg:$0x5] =	wrdreg s20  }
0x12: {  	[dreg:$0x6] =	wrdreg s21;
	s23 =	sadd.s32 s5, s9;
	s24 =	sadd.s32 s6, s9  }
0x13: {  	s25 =	sadd.s32 $0x10, s9;
	s9 =	sadd.s32 $0x4E0, s9;
	s19 =	smax.u32 s13, $0x1  }
0x14: {  	s20 =	sadd.s32 s26, s6;
	s21 =	sadd.s32 s26, s5;
	[dreg:$0x7] =	wrdreg s23  }
0x15: {  	s26 =	simm.s32 $0x1;
	[dreg:$0x8] =	wrdreg s24;
	s14 =	sadd.s32 s5, s25  }
0x16: {  	s15 =	sadd.s32 s6, s25;
	s16 =	sadd.s32 s5, s9;
	s17 =	sadd.s32 s6, s9  }
0x17: {  	v0 =	vimm.f32 $0.0e+00;
	s23 =	simm.s32 $0x200;
	s24 =	simm.s32 $0x5;
	s25 =	simm.s32 $0x80  }
.LBB2_1:
0x18: {  	s9 =	sand.u32 $0xFE00, s3  }
0x19: {  	s10 =	sand.u32 $0x70, s3;
	s11 =	sshrl.u32 s9, $0x2  }
0x1a: {  	s9 =	simm.s32 $0x40;
	s11 =	sor.u32 s10, s11;
	s10 =	simm.s32 $0x0  }
.LBB2_2:
0x1b: {  	p0 =	sne.s32 s9, $0xFFC0  }
0x1c: {  	[tilespmem:s11+$0x200] =	vst v0;
	s10 =	sadd.s32 $0x10, s10;
	s11 =	smov.u32 s9;
	s9 =	sadd.s32 $0x40, s9  }
.Ltmp0:
0x1d: {  	(pc) =	sbr.rel @p0 .LBB2_2-.Ltmp0, $4  }
0x1e: {  	_ = 	snop  }
0x1f: {  	s11 =	sand.u32 $0xFE00, s11  }
0x20: {  	s12 =	sand.u32 $0x70, s10;
	s11 =	sshrl.u32 s11, $0x2  }
0x21: {  	s11 =	sor.u32 s12, s11  }
0x22: {  	[tilespmem:s11+$0x200] =	vst v0  }
0x23: {  	[spmem:s7] =	stream.linear.scatter [tilespmem:s23], [sflag:$0x5], $0x4000, $0x38;
	[tilespmem:$0x1C200] =	vst v63  }
0x24: {  	_ =	swait.ge [sflag:s24], $0x4000  }
0x25: {  	[sflag:s24] =	ssyncset.done $0x0  }
0x26: {  	s9 =	rddreg [dreg:$0x3];
	[sflag:s24] =	ssyncadd.s32 $0xFFFFC000  }
0x27: {  	[spmem:s9] =	stream.linear.scatter [tilespmem:s23], [sflag:$0x5], $0x4000, $0x38;
	[tilespmem:$0x1C200] =	vst v63  }
0x28: {  	_ =	swait.ge [sflag:s24], $0x4000  }
0x29: {  	[sflag:s24] =	ssyncset.done $0x0  }
0x2a: {  	s12 =	rddreg [dreg:$0x4];
	[sflag:s24] =	ssyncadd.s32 $0xFFFFC000  }
0x2b: {  	[spmem:s12] =	stream.linear.scatter [tilespmem:s23], [sflag:$0x5], $0x4000, $0x38;
	[tilespmem:$0x1C200] =	vst v63  }
0x2c: {  	_ =	swait.ge [sflag:s24], $0x4000  }
0x2d: {  	[sflag:s24] =	ssyncset.done $0x0  }
0x2e: {  	s13 =	rddreg [dreg:$0x5];
	[sflag:s24] =	ssyncadd.s32 $0xFFFFC000  }
0x2f: {  	[spmem:s13] =	stream.linear.scatter [tilespmem:s23], [sflag:$0x5], $0x4000, $0x38;
	[tilespmem:$0x1C200] =	vst v63  }
0x30: {  	_ =	swait.ge [sflag:s24], $0x4000  }
0x31: {  	[sflag:s24] =	ssyncset.done $0x0  }
0x32: {  	s10 =	rddreg [dreg:$0x6];
	[sflag:s24] =	ssyncadd.s32 $0xFFFFC000  }
0x33: {  	[spmem:s10] =	stream.linear.scatter [tilespmem:s23], [sflag:$0x5], $0x4000, $0x38;
	[tilespmem:$0x1C200] =	vst v63  }
0x34: {  	_ =	swait.ge [sflag:s24], $0x4000  }
0x35: {  	[sflag:s24] =	ssyncset.done $0x0  }
0x36: {  	[sflag:s24] =	ssyncadd.s32 $0xFFFFC000  }
0x37: {  	[bflag:$0x0] =	sbarrier.arrive $0xFFFF  }
0x38: {  	s11 =	simm.s32 $0x0;
	s10 =	rddreg [dreg:$0x7]  }
0x39: {  	[tilespmem:s11], [sflag:$0x5] =	stream.linear.gather [hbm4b:s10+s11], $0x80, $0x38;
	[tilespmem:$0x1C200] =	vst v63  }
0x3a: {  	_ =	swait.ge [sflag:s24], $0x80  }
0x3b: {  	[sflag:s24] =	ssyncset.done $0x0  }
0x3c: {  	s12 =	rddreg [dreg:$0x8];
	[sflag:s24] =	ssyncadd.s32 $0xFFFFFF80  }
0x3d: {  	[tilespmem:s25], [sflag:$0x5] =	stream.linear.gather [hbm4b:s12+s11], $0x80, $0x38;
	[tilespmem:$0x1C200] =	vst v63  }
0x3e: {  	_ =	swait.ge [sflag:s24], $0x80  }
0x3f: {  	[sflag:s24] =	ssyncset.done $0x0  }
0x40: {  	[sflag:s24] =	ssyncadd.s32 $0xFFFFFF80  }
0x41: {  	[tilespmem:s23], [sflag:$0x1] =	stream.indirect.gather [hbm4b:s4+s25], $0x80, s11, s25, $0xb8;
	[tilespmem:$0x1C200] =	vst v63  }
0x42: {  	_ =	swait.ge [sflag:s26], $0x4000  }
0x43: {  	[sflag:s26] =	ssyncset.done $0x0  }
0x44: {  	[sflag:s26] =	ssyncadd.s32 $0xFFFFC000  }
0x45: {  	[spmem:s2] =	stream.indirect.scatter.add.f32 [tilespmem:s23], [sflag:$0x3], $0x80, s25, s25, $0xb8;
	[tilespmem:$0x1C200] =	vst v63  }
0x46: {  	_ = 	snop  }
0x47: {  	[tilespmem:s28], [sflag:$0x5] =	stream.linear.gather [hbm4b:s14+s11], $0x80, $0x38;
	[tilespmem:$0x1C200] =	vst v63  }
0x48: {  	_ =	swait.ge [sflag:s24], $0x80  }
0x49: {  	[sflag:s24] =	ssyncset.done $0x0  }
0x4a: {  	[sflag:s24] =	ssyncadd.s32 $0xFFFFFF80  }
0x4b: {  	[tilespmem:s29], [sflag:$0x5] =	stream.linear.gather [hbm4b:s15+s11], $0x80, $0x38;
	[tilespmem:$0x1C200] =	vst v63  }
0x4c: {  	_ =	swait.ge [sflag:s24], $0x80  }
0x4d: {  	[sflag:s24] =	ssyncset.done $0x0  }
0x4e: {  	[sflag:s24] =	ssyncadd.s32 $0xFFFFFF80  }
0x4f: {  	[tilespmem:s30], [sflag:$0x2] =	stream.indirect.gather [hbm4b:s4+s25], $0x80, s28, s25, $0xb8;
	[tilespmem:$0x1C200] =	vst v63  }
0x50: {  	_ =	swait.ge [sflag:s31], $0x4000  }
0x51: {  	[sflag:s31] =	ssyncset.done $0x0  }
0x52: {  	[sflag:s31] =	ssyncadd.s32 $0xFFFFC000  }
0x53: {  	[spmem:s2] =	stream.indirect.scatter.add.f32 [tilespmem:s30], [sflag:$0x4], $0x80, s29, s25, $0xb8;
	[tilespmem:$0x1C200] =	vst v63  }
0x54: {  	_ =	swait.ge [sflag:s0], $0x4000  }
0x55: {  	s13 =	sshrl.u32 s22, $0x3;
	[sflag:s0] =	ssyncset.done $0x0  }
0x56: {  	s11 =	sadd.s32 s5, s13;
	[sflag:s0] =	ssyncadd.s32 $0xFFFFC000  }
0x57: {  	[tilespmem:s3], [sflag:$0x5] =	stream.linear.gather [hbm4b:s11+s3], $0x80, $0x38;
	[tilespmem:$0x1C200] =	vst v63  }
0x58: {  	_ =	swait.ge [sflag:s24], $0x80  }
0x59: {  	[sflag:s24] =	ssyncset.done $0x0  }
0x5a: {  	s9 =	sadd.s32 s6, s13;
	[sflag:s24] =	ssyncadd.s32 $0xFFFFFF80  }
0x5b: {  	[tilespmem:s25], [sflag:$0x5] =	stream.linear.gather [hbm4b:s9+s3], $0x80, $0x38;
	[tilespmem:$0x1C200] =	vst v63  }
0x5c: {  	_ =	swait.ge [sflag:s24], $0x80  }
0x5d: {  	[sflag:s24] =	ssyncset.done $0x0  }
0x5e: {  	[sflag:s24] =	ssyncadd.s32 $0xFFFFFF80  }
0x5f: {  	[tilespmem:s23], [sflag:$0x1] =	stream.indirect.gather [hbm4b:s4+s25], $0x80, s3, s25, $0xb8;
	[tilespmem:$0x1C200] =	vst v63  }
0x60: {  	_ =	swait.ge [sflag:s26], $0x4000  }
0x61: {  	[sflag:s26] =	ssyncset.done $0x0  }
0x62: {  	[sflag:s26] =	ssyncadd.s32 $0xFFFFC000  }
0x63: {  	[spmem:s2] =	stream.indirect.scatter.add.f32 [tilespmem:s23], [sflag:$0x3], $0x80, s25, s25, $0xb8;
	[tilespmem:$0x1C200] =	vst v63  }
0x64: {  	_ =	swait.ge [sflag:s1], $0x4000  }
0x65: {  	[sflag:s1] =	ssyncset.done $0x0  }
0x66: {  	s12 =	sadd.s32 $0x0, s21;
	[sflag:s1] =	ssyncadd.s32 $0xFFFFC000  }
0x67: {  	[tilespmem:s28], [sflag:$0x5] =	stream.linear.gather [hbm4b:s12+s3], $0x80, $0x38;
	[tilespmem:$0x1C200] =	vst v63  }
0x68: {  	_ =	swait.ge [sflag:s24], $0x80  }
0x69: {  	[sflag:s24] =	ssyncset.done $0x0  }
0x6a: {  	s13 =	sadd.s32 $0x0, s20;
	[sflag:s24] =	ssyncadd.s32 $0xFFFFFF80  }
0x6b: {  	[tilespmem:s29], [sflag:$0x5] =	stream.linear.gather [hbm4b:s13+s3], $0x80, $0x38;
	[tilespmem:$0x1C200] =	vst v63  }
0x6c: {  	_ =	swait.ge [sflag:s24], $0x80  }
0x6d: {  	[sflag:s24] =	ssyncset.done $0x0  }
0x6e: {  	s10 =	sadd.s32 $0x100, s22;
	s9 =	simm.s32 $0x20;
	[sflag:s24] =	ssyncadd.s32 $0xFFFFFF80  }
.LBB2_4:
0x6f: {  	[tilespmem:s30], [sflag:$0x2] =	stream.indirect.gather [hbm4b:s4+s25], $0x80, s28, s25, $0xb8;
	[tilespmem:$0x1C200] =	vst v63  }
0x70: {  	s11 =	smov.u32 s9  }
0x71: {  	p0 =	sne.s32 s9, $0x4A0;
	s9 =	sadd.s32 $0x20, s9;
	_ =	swait.ge [sflag:s31], $0x4000  }
0x72: {  	[sflag:s31] =	ssyncset.done $0x0  }
0x73: {  	[sflag:s31] =	ssyncadd.s32 $0xFFFFC000  }
0x74: {  	[spmem:s2] =	stream.indirect.scatter.add.f32 [tilespmem:s30], [sflag:$0x4], $0x80, s29, s25, $0xb8;
	[tilespmem:$0x1C200] =	vst v63  }
0x75: {  	_ =	swait.ge [sflag:s0], $0x4000  }
0x76: {  	s12 =	sshrl.u32 s10, $0x3;
	[sflag:s0] =	ssyncset.done $0x0  }
0x77: {  	s13 =	sadd.s32 s5, s12;
	[sflag:s0] =	ssyncadd.s32 $0xFFFFC000  }
0x78: {  	[tilespmem:s3], [sflag:$0x5] =	stream.linear.gather [hbm4b:s13+s3], $0x80, $0x38;
	[tilespmem:$0x1C200] =	vst v63  }
0x79: {  	_ =	swait.ge [sflag:s24], $0x80  }
0x7a: {  	[sflag:s24] =	ssyncset.done $0x0  }
0x7b: {  	s12 =	sadd.s32 s6, s12;
	[sflag:s24] =	ssyncadd.s32 $0xFFFFFF80  }
0x7c: {  	[tilespmem:s25], [sflag:$0x5] =	stream.linear.gather [hbm4b:s12+s3], $0x80, $0x38;
	[tilespmem:$0x1C200] =	vst v63  }
0x7d: {  	_ =	swait.ge [sflag:s24], $0x80  }
0x7e: {  	[sflag:s24] =	ssyncset.done $0x0  }
0x7f: {  	[sflag:s24] =	ssyncadd.s32 $0xFFFFFF80  }
0x80: {  	[tilespmem:s23], [sflag:$0x1] =	stream.indirect.gather [hbm4b:s4+s25], $0x80, s3, s25, $0xb8;
	[tilespmem:$0x1C200] =	vst v63  }
0x81: {  	_ =	swait.ge [sflag:s26], $0x4000  }
0x82: {  	[sflag:s26] =	ssyncset.done $0x0  }
0x83: {  	[sflag:s26] =	ssyncadd.s32 $0xFFFFC000  }
0x84: {  	[spmem:s2] =	stream.indirect.scatter.add.f32 [tilespmem:s23], [sflag:$0x3], $0x80, s25, s25, $0xb8;
	[tilespmem:$0x1C200] =	vst v63  }
0x85: {  	_ =	swait.ge [sflag:s1], $0x4000  }
0x86: {  	[sflag:s1] =	ssyncset.done $0x0  }
0x87: {  	s12 =	sadd.s32 s11, s21;
	[sflag:s1] =	ssyncadd.s32 $0xFFFFC000  }
0x88: {  	[tilespmem:s28], [sflag:$0x5] =	stream.linear.gather [hbm4b:s12+s3], $0x80, $0x38;
	[tilespmem:$0x1C200] =	vst v63  }
0x89: {  	_ =	swait.ge [sflag:s24], $0x80  }
0x8a: {  	[sflag:s24] =	ssyncset.done $0x0  }
.Ltmp1:
0x8b: {  	s11 =	sadd.s32 s11, s20;
	[sflag:s24] =	ssyncadd.s32 $0xFFFFFF80;
	(pc) =	sbr.rel @p0 .LBB2_4-.Ltmp1, $4  }
0x8c: {  	[tilespmem:s29], [sflag:$0x5] =	stream.linear.gather [hbm4b:s11+s3], $0x80, $0x38;
	[tilespmem:$0x1C200] =	vst v63  }
0x8d: {  	_ =	swait.ge [sflag:s24], $0x80  }
0x8e: {  	[sflag:s24] =	ssyncset.done $0x0  }
0x8f: {  	s10 =	sadd.s32 $0x100, s10;
	[sflag:s24] =	ssyncadd.s32 $0xFFFFFF80  }
0x90: {  	[tilespmem:s30], [sflag:$0x2] =	stream.indirect.gather [hbm4b:s4+s25], $0x80, s28, s25, $0xb8;
	[tilespmem:$0x1C200] =	vst v63  }
0x91: {  	_ =	swait.ge [sflag:s31], $0x4000  }
0x92: {  	[sflag:s31] =	ssyncset.done $0x0  }
0x93: {  	[sflag:s31] =	ssyncadd.s32 $0xFFFFC000  }
0x94: {  	[spmem:s2] =	stream.indirect.scatter.add.f32 [tilespmem:s30], [sflag:$0x4], $0x80, s29, s25, $0xb8;
	[tilespmem:$0x1C200] =	vst v63  }
0x95: {  	_ =	swait.ge [sflag:s0], $0x4000  }
0x96: {  	[sflag:s0] =	ssyncset.done $0x0  }
0x97: {  	[sflag:s0] =	ssyncadd.s32 $0xFFFFC000  }
0x98: {  	[tilespmem:s3], [sflag:$0x5] =	stream.linear.gather [hbm4b:s16+s3], $0x80, $0x38;
	[tilespmem:$0x1C200] =	vst v63  }
0x99: {  	_ =	swait.ge [sflag:s24], $0x80  }
0x9a: {  	[sflag:s24] =	ssyncset.done $0x0  }
0x9b: {  	[sflag:s24] =	ssyncadd.s32 $0xFFFFFF80  }
0x9c: {  	[tilespmem:s25], [sflag:$0x5] =	stream.linear.gather [hbm4b:s17+s3], $0x80, $0x38;
	[tilespmem:$0x1C200] =	vst v63  }
0x9d: {  	_ =	swait.ge [sflag:s24], $0x80  }
0x9e: {  	[sflag:s24] =	ssyncset.done $0x0  }
0x9f: {  	[sflag:s24] =	ssyncadd.s32 $0xFFFFFF80  }
0xa0: {  	[tilespmem:s23], [sflag:$0x1] =	stream.indirect.gather [hbm4b:s4+s25], $0x80, s3, s25, $0xb8;
	[tilespmem:$0x1C200] =	vst v63  }
0xa1: {  	_ =	swait.ge [sflag:s26], $0x4000  }
0xa2: {  	[sflag:s26] =	ssyncset.done $0x0  }
0xa3: {  	[sflag:s26] =	ssyncadd.s32 $0xFFFFC000  }
0xa4: {  	[spmem:s2] =	stream.indirect.scatter.add.f32 [tilespmem:s23], [sflag:$0x3], $0x80, s25, s25, $0xb8;
	[tilespmem:$0x1C200] =	vst v63  }
0xa5: {  	_ =	swait.ge [sflag:s0], $0x4000  }
0xa6: {  	[sflag:s0] =	ssyncset.done $0x0  }
0xa7: {  	[sflag:s0] =	ssyncadd.s32 $0xFFFFC000  }
0xa8: {  	s9 =	stileid.u32;
	_ =	swait.ge [sflag:s1], $0x4000  }
0xa9: {  	s10 =	sshrl.u32 s7, $0x3;
	s8 =	sadd.s32 $0x1, s8;
	[sflag:s1] =	ssyncset.done $0x0  }
0xaa: {  	s9 =	sshll.u32 s9, $0x6;
	p0 =	sne.s32 s8, s19;
	[sflag:s1] =	ssyncadd.s32 $0xFFFFC000  }
.Ltmp2:
0xab: {  	s9 =	sor.u32 $0x1C05, s9;
	[bflag:$0x0] =	sbarrier.arrive $0xFFFF;
	(pc) =	sbr.rel @p0 .LBB2_1-.Ltmp2, $4  }
0xac: {  	[hbm:s18], [sflag:s9] =	dma.local [spmem:s10], $0x2800  }
0xad: {  	_ =	swait.ge [sflag:s24], $0x2800  }
0xae: {  	[sflag:s24] =	ssyncset.done $0x0  }
0xaf: {  	[sflag:s24] =	ssyncadd.s32 $0xFFFFD800  }
0xb0: {  	_ =	sfence.sel $0x180000  }
0xb1: {  	[bflag:$0x0] =	sbarrier.arrive $0xFFFF  }
0xb2: {  	_ =	strace $0x9000004A  }
0xb3: {  	s0 =	stileid.u32;
	[bflag:$0x2] =	sbarrier.arrive $0xFFFF  }
0xb4: {  	p0 =	sne.s32 s0, $0x0;
	s0 =	rddreg [dreg:$0x2]  }
0xb5: {  	s0 =	sadd.s32 @!p0 $0x100000, s0  }
0xb6: {  	[sflag:s0] =	ssyncadd.tile.s32 @!p0 $0x1;
	_ =	shalt  }
.Lfunc_end2:
_tile_overlayer_lowered:
.L_overlay_start_2:
0xb7: {  	(tag) =	ssettag $0x2  }
0xb8: {  	s0 =	rddreg [dreg:$0x0];
	s2 =	stileid.u32  }
0xb9: {  	s1 =	rddreg [dreg:$0x1];
	p0 =	sne.s32 s2, $0x0  }
0xba: {  	s3 =	rddreg [dreg:$0x2];
	[bflag:$0x3] =	sbarrier.arrive $0xFFFF;
	s2 =	simm.s32 @!p0 $0x1C05  }
0xbb: {  	[timem:s3], [sflag:s2] =	dma.local @!p0 [hbm:s0], s1  }
0xbc: {  	s0 =	simm.s32 @!p0 $0x5  }
0xbd: {  	_ =	swait.ge @!p0 [sflag:s0], s1  }
0xbe: {  	s1 =	ssub.s32 @!p0 $0x0, s1;
	[sflag:s0] =	ssyncset.done @!p0 $0x0  }
0xbf: {  	[sflag:s0] =	ssyncadd.s32 @!p0 s1  }
0xc0: {  	[bflag:$0x3] =	sbarrier.arrive $0xFFFF  }
0xc1: {  	_ =	shalt  }

// kernel: kernel.7.cloned.1.call-start
scs
__scs_entry_jumppad:
0x0: {  	(pc) =	sbr.rel $0x88, $3  }
0x1: {  	(tag) =	ssettag $0x0;
	lr =	simm.s32 $0x1  }
0x2: {  	[smem:$0x3F98] =	sst lr;
	_ =	strace $0xD0000000  }
0x3: {  	_ = 	snop  }
0x4: {  	_ = 	snop  }
0x5: {  	_ = 	snop  }
0x6: {  	_ = 	snop  }
0x7: {  	_ = 	snop  }
__scs_overlays_trampoline_lowered:
0x8: {  	[smem:$0x3FA7] =	sst s0  }
0x9: {  	[smem:$0x3FA8] =	sst s1  }
0xa: {  	[smem:$0x3FA9] =	sst s2  }
0xb: {  	[smem:$0x3FAA] =	sst s3  }
0xc: {  	[smem:$0x3FAB] =	sst s4  }
0xd: {  	[smem:$0x3FAC] =	sst s5  }
0xe: {  	[smem:$0x3FAD] =	sst s6  }
0xf: {  	[smem:$0x3FAE] =	sst s7  }
0x10: {  	[smem:$0x3FAF] =	sst s8  }
0x11: {  	[smem:$0x3FB0] =	sst s9;
	s0 =	simm.s32 @!p0 $0x0  }
0x12: {  	s1 =	sld [smem:$0x3F96];
	s0 =	simm.s32 @p0 $0x1  }
0x13: {  	[smem:$0x3FB1] =	sst s0;
	s0 =	simm.s32 @!p1 $0x0  }
0x14: {  	s2 =	sld [smem:$0x3F95];
	s0 =	simm.s32 @p1 $0x1  }
0x15: {  	[smem:$0x3FB2] =	sst s0;
	s0 =	simm.s32 @!p2 $0x0  }
0x16: {  	s3 =	sld [smem:$0x3FDB];
	s0 =	simm.s32 @p2 $0x1  }
0x17: {  	s4 =	simm.s32 $0x1BF5;
	[smem:$0x3FB4] =	sst s0  }
0x18: {  	s0 =	sld [smem:$0x3F97];
	_ =	swait.ge [sflag:s4], $0x0  }
0x19: {  	s7 =	sld [smem:$0x3F98]  }
0x1a: {  	s8 =	sadd.s32 $0xFFFFE003, lr  }
0x1b: {  	s9 =	sadd.s32 $0xFFFFFEF7, lr;
	s5 =	simm.s32 $0xFFFFFFFF;
	p2 =	slt.u32 s8, $0xFFFFF086  }
0x1c: {  	p1 =	slt.u32 s9, $0xF7A;
	s5 =	simm.s32 @!p2 $0x0  }
0x1d: {  	s5 =	simm.s32 @p1 $0x1;
	p0 =	seq.s32 s7, s2  }
0x1e: {  	s7 =	smul.u32 @!p0 $0xF7A, s2;
	p2 =	seq.s32 @!p0 s5, $0x0  }
0x1f: {  	s9 =	smul.u32 $0xF7A, s1;
	s8 =	simm.s32 @!p0 $0x1BF5;
	p2 =	por !p2, p0  }
0x20: {  	[sflag:s8] =	ssyncset.s32 @!p0 $0xFFFFF086;
	s6 =	sadd.s32 @!p0 s3, s7;
	s7 =	simm.s32 @!p0 $0x108  }
0x21: {  	s3 =	sadd.s32 s3, s9;
	s6 =	sadd.s32 @!p0 $0x88, s6;
	s7 =	simm.s32 @p2 $0x1082  }
0x22: {  	[simem:s7], [sflag:s8] =	dma.local @!p0 [hbm:s6], $0xF7A  }
0x23: {  	s9 =	sor.u32 $0xD0000000, s2;
	s6 =	simm.s32 $0x108;
	_ =	swait.ge @!p0 [sflag:s8], $0x0  }
0x24: {  	s3 =	sadd.s32 $0x88, s3;
	s6 =	simm.s32 @!p1 $0x1082;
	[sflag:s4] =	ssyncset.s32 $0xFFFFF086  }
0x25: {  	[simem:s6], [sflag:s4] =	dma.local [hbm:s3], $0xF7A  }
0x26: {  	[smem:$0x3F98] =	sst s1;
	(tag) =	ssettag s2;
	_ =	strace s9  }
0x27: {  	s1 =	sld [smem:$0x3FA8]  }
0x28: {  	s2 =	sld [smem:$0x3FA9]  }
0x29: {  	s4 =	sld [smem:$0x3FAB]  }
0x2a: {  	p0 =	seq.s32 s5, $0x0;
	s5 =	sld [smem:$0x3FAC]  }
0x2b: {  	s6 =	sld [smem:$0x3FAD]  }
0x2c: {  	s7 =	sld [smem:$0x3FAE]  }
0x2d: {  	s3 =	simm.s32 $0x108;
	s8 =	sld [smem:$0x3FAF]  }
0x2e: {  	s3 =	simm.s32 @!p0 $0x1082;
	s9 =	sld [smem:$0x3FB0]  }
0x2f: {  	lr =	sadd.s32 s0, s3;
	s0 =	sld [smem:$0x3FA7]  }
0x30: {  	s3 =	sld [smem:$0x3FAA]  }
0x31: {  	[smem:$0x3FB3] =	sst s10  }
0x32: {  	s10 =	sld [smem:$0x3FB1];
	_ =	sdelay $0x3  }
0x33: {  	p0 =	seq.s32 s10, $0x1;
	s10 =	sld [smem:$0x3FB3];
	_ =	sdelay $0x3  }
0x34: {  	[smem:$0x3FB3] =	sst s10  }
0x35: {  	s10 =	sld [smem:$0x3FB2];
	_ =	sdelay $0x3  }
0x36: {  	p1 =	seq.s32 s10, $0x1;
	s10 =	sld [smem:$0x3FB3];
	_ =	sdelay $0x3  }
0x37: {  	[smem:$0x3FB3] =	sst s10  }
0x38: {  	s10 =	sld [smem:$0x3FB4]  }
0x39: {  	_ = 	snop;
	(pc) =	sbr.ind lr, $3  }
0x3a: {  	_ = 	snop  }
0x3b: {  	_ = 	snop  }
0x3c: {  	p2 =	seq.s32 s10, $0x1;
	s10 =	sld [smem:$0x3FB3]  }
0x3d: {  	_ =	shalt  }
0x3e: {  	_ =	shalt  }
0x3f: {  	_ =	shalt  }
0x40: {  	_ =	shalt  }
0x41: {  	_ =	shalt  }
0x42: {  	_ =	shalt  }
0x43: {  	_ =	shalt  }
0x44: {  	_ =	shalt  }
0x45: {  	_ =	shalt  }
0x46: {  	_ =	shalt  }
0x47: {  	_ =	shalt  }
0x48: {  	_ =	shalt  }
0x49: {  	_ =	shalt  }
0x4a: {  	_ =	shalt  }
0x4b: {  	_ =	shalt  }
0x4c: {  	_ =	shalt  }
0x4d: {  	_ =	shalt  }
0x4e: {  	_ =	shalt  }
0x4f: {  	_ =	shalt  }
0x50: {  	_ =	shalt  }
0x51: {  	_ =	shalt  }
0x52: {  	_ =	shalt  }
0x53: {  	_ =	shalt  }
0x54: {  	_ =	shalt  }
0x55: {  	_ =	shalt  }
0x56: {  	_ =	shalt  }
0x57: {  	_ =	shalt  }
0x58: {  	_ =	shalt  }
0x59: {  	_ =	shalt  }
0x5a: {  	_ =	shalt  }
0x5b: {  	_ =	shalt  }
0x5c: {  	_ =	shalt  }
0x5d: {  	_ =	shalt  }
0x5e: {  	_ =	shalt  }
0x5f: {  	_ =	shalt  }
0x60: {  	_ =	shalt  }
0x61: {  	_ =	shalt  }
0x62: {  	_ =	shalt  }
0x63: {  	_ =	shalt  }
0x64: {  	_ =	shalt  }
0x65: {  	_ =	shalt  }
0x66: {  	_ =	shalt  }
0x67: {  	_ =	shalt  }
0x68: {  	_ =	shalt  }
0x69: {  	_ =	shalt  }
0x6a: {  	_ =	shalt  }
0x6b: {  	_ =	shalt  }
0x6c: {  	_ =	shalt  }
0x6d: {  	_ =	shalt  }
0x6e: {  	_ =	shalt  }
0x6f: {  	_ =	shalt  }
0x70: {  	_ =	shalt  }
0x71: {  	_ =	shalt  }
0x72: {  	_ =	shalt  }
0x73: {  	_ =	shalt  }
0x74: {  	_ =	shalt  }
0x75: {  	_ =	shalt  }
0x76: {  	_ =	shalt  }
0x77: {  	_ =	shalt  }
0x78: {  	_ =	shalt  }
0x79: {  	_ =	shalt  }
0x7a: {  	_ =	shalt  }
0x7b: {  	_ =	shalt  }
0x7c: {  	_ =	shalt  }
0x7d: {  	_ =	shalt  }
0x7e: {  	_ =	shalt  }
0x7f: {  	_ =	shalt  }
0x80: {  	_ =	shalt  }
0x81: {  	_ =	shalt  }
0x82: {  	_ =	shalt  }
0x83: {  	_ =	shalt  }
0x84: {  	_ =	shalt  }
0x85: {  	_ =	shalt  }
0x86: {  	_ =	shalt  }
0x87: {  	_ =	shalt  }
.Lfunc_end0:
.L_simem_size_0:
called_computation_lowered:
.L_overlay_start_0:
0x88: {  	s2 =	sld [smem:$0x3FD9]  }
0x89: {  	s3 =	sld [smem:$0x3FFE];
	_ =	sdelay $0x1  }
0x8a: {  	s1 =	srdreg.scid  }
0x8b: {  	s0 =	sand.u32 $0x1, s1  }
0x8c: {  	s17 =	sshll.u32 s0, $0xA;
	s2 =	sadd.s32 s3, s2  }
0x8d: {  	s2 =	sadd.s32 s2, s17  }
0x8e: {  	[smem:$0x3FBF] =	sst s2  }
0x8f: {  	_ = 	snop  }
0x90: {  	s2 =	sld [smem:$0x3FD0];
	(tm) =	ssettm $0x1  }
0x91: {  	s18 =	sld [smem:$0x3FFB];
	_ =	sdelay $0x3  }
0x92: {  	_ =	strace s18  }
0x93: {  	s3 =	sld [smem:$0x3FFC];
	_ =	sdelay $0x3  }
0x94: {  	_ =	strace s3  }
0x95: {  	s3 =	sld [smem:$0x3FFD];
	_ =	sdelay $0x3  }
0x96: {  	_ =	strace s3  }
0x97: {  	_ =	strace $0x8FFFFFFF  }
0x98: {  	s19 =	sld [smem:$0x3FDB];
	_ =	sdelay $0x1  }
0x99: {  	s4 =	simm.s32 $_scs_section_size  }
0x9a: {  	s5 =	simm.s32 $_size__tile_overlayer_lowered;
	s6 =	simm.s32 $_tile_overlayer_lowered  }
0x9b: {  	s22 =	simm.s32 $0x1BFF;
	s21 =	sshll.u32 s6, $0x1;
	s3 =	sadd.s32 s4, s19  }
0x9c: {  	s7 =	simm.s32 $0x0;
	s20 =	sshll.u32 s5, $0x1;
	s5 =	sadd.s32 s21, s3  }
0x9d: {  	[timem:s7], [sflag:s22] =	dma.local [hbm:s5], s20  }
0x9e: {  	_ =	swait.ge [sflag:s22], s20  }
0x9f: {  	s4 =	ssub.s32 $0x0, s20;
	[sflag:s22] =	ssyncset.done $0x0  }
0xa0: {  	[sflag:s22] =	ssyncadd.s32 s4;
	_ =	sdelay $0x1  }
0xa1: {  	s23 =	simm.s32 $0x1B8B  }
0xa2: {  	_ =	swait.ge [sflag:s23], $0x1  }
0xa3: {  	[sflag:s23] =	ssyncset.done $0x0  }
0xa4: {  	s25 =	simm.s32 $0x1B8E;
	s24 =	sld [smem:$0x3FFE];
	[sflag:s23] =	ssyncadd.s32 $0xFFFFFFFF  }
0xa5: {  	s26 =	simm.s32 $execute0_lowered;
	[smem:$0x3FD2] =	sst s25  }
0xa6: {  	s5 =	sshll.u32 s26, $0x1;
	_ =	strace $0x80000046;
	[dreg:$0x1] =	wrdreg $0xFFFFFFFF  }
0xa7: {  	s28 =	simm.s32 $_size_execute0_lowered;
	s3 =	sadd.s32 s3, s5;
	[dreg:$0x0] =	wrdreg $0x0  }
0xa8: {  	s5 =	sshll.u32 s28, $0x1;
	[dreg:$0x2] =	wrdreg s3  }
0xa9: {  	[dreg:$0x3] =	wrdreg s5  }
0xaa: {  	[dreg:$0x4] =	wrdreg $0xC0  }
0xab: {  	_ =	task [dreg:s7], $0x5FFFF  }
0xac: {  	[dreg:$0x1] =	wrdreg $0xFFFFFFFF  }
0xad: {  	[dreg:$0x0] =	wrdreg $0x60  }
0xae: {  	[dreg:$0x2] =	wrdreg s24  }
0xaf: {  	[dreg:$0x3] =	wrdreg s2  }
0xb0: {  	[dreg:$0x4] =	wrdreg $0x85000  }
0xb1: {  	[dreg:$0x5] =	wrdreg $0x1C5000  }
0xb2: {  	[dreg:$0x6] =	wrdreg $0x9  }
0xb3: {  	_ =	task.clear_ibuf [dreg:s7], $0x7FFFF;
	_ =	strace $0x90000046  }
0xb4: {  	s29 =	simm.s32 $0x9;
	_ =	strace $0x80000048  }
0xb5: {  	_ =	swait.ge [sflag:s29], $0x1  }
0xb6: {  	[sflag:s29] =	ssyncadd.s32 $0xFFFFFFFF  }
0xb7: {  	_ =	strace $0x90000048  }
0xb8: {  	_ =	sfence  }
0xb9: {  	s30 =	sld [smem:$0x0];
	_ =	sdelay $0x2  }
0xba: {  	s31 =	sshll.u32 s1, $0xD;
	s1 =	sshrl.u32 s1, $0x2  }
0xbb: {  	s3 =	sand.u32 $0x4000, s31;
	s1 =	sadd.s32 s1, s30  }
0xbc: {  	s0 =	sor.u32 s3, s0;
	s1 =	sshll.u32 s1, $0x11  }
0xbd: {  	s0 =	sor.u32 s1, s0  }
0xbe: {  	s0 =	sadd.s32 $0x8F2B, s0  }
0xbf: {  	[sflag:s0] =	ssyncadd.remote.s32 $0x1  }
0xc0: {  	_ =	sfence.sel $0xFFFF  }
0xc1: {  	[dreg:$0x0] =	wrdreg $0xFFFFFFFF;
	(pc) =	sbr.abs _section_cstart, $3  }
0xc2: {  	[dreg:$0x1] =	wrdreg $0xFFFFFFFF  }
0xc3: {  	_ =	task.clear_ibuf [dreg:s7], $0x2FFFF;
	_ =	strace $0x9FFFFFFF  }
0xc4: {  	(tm) =	ssettm $0x7FFFFFFF  }
0xc5: {  	_ =	shalt  }
tec
execute0_lowered:
.L_overlay_start_1:
0x0: {  	(tag) =	ssettag $0x1  }
0x1: {  	s0 =	rddreg [dreg:$0x0]  }
0x2: {  	s1 =	rddreg [dreg:$0x1]  }
0x3: {  	s2 =	rddreg [dreg:$0x2]  }
0x4: {  	s3 =	rddreg [dreg:$0x3]  }
0x5: {  	s5 =	srdreg.scid;
	s15 =	stileid.u32  }
0x6: {  	s4 =	simm.s32 $0x0;
	s28 =	simm.s32 $0x5;
	s30 =	simm.s32 $0x80  }
0x7: {  	s31 =	simm.s32 $0x1;
	s29 =	simm.s32 $0x100;
	s10 =	smul.u32 $0x280, s15  }
0x8: {  	s9 =	sand.u32 $0x1, s5;
	[smem:$0x7FF] =	sst s4;
	s12 =	smul.u32 $0x50000, s15  }
0x9: {  	s5 =	sadd.s32 $0x3F200, s0;
	s6 =	sadd.s32 $0x2B600, s0;
	s7 =	smul.u32 $0x2800, s9  }
0xa: {  	_ =	strace $0x80000047;
	s26 =	ssub.s32 $0x2, s9;
	s13 =	sshll.u32 s9, $0x4  }
0xb: {  	s9 =	smul.u32 $0x27800, s9;
	s14 =	sshrl.u32 s26, $0x1;
	s13 =	sor.u32 s15, s13  }
0xc: {  	s12 =	sshrl.u32 s12, $0x2;
	s15 =	smul.u32 $0x2780, s15;
	s11 =	sadd.s32 s10, s7  }
0xd: {  	s7 =	sadd.s32 $0x35400, s0;
	s14 =	ssub.s32 s26, s14;
	s8 =	sshll.u32 s11, $0x4  }
0xe: {  	s16 =	smul.u32 $0x2780, s13;
	s0 =	sadd.s32 s8, s0;
	s8 =	sadd.s32 s12, s2  }
0xf: {  	s13 =	sadd.s32 s10, s3;
	s9 =	sadd.s32 s15, s9;
	s17 =	sadd.s32 $0x4000, s8  }
0x10: {  	s26 =	sshrl.u32 s11, $0x3;
	s18 =	sadd.s32 $0x8000, s8;
	[dreg:$0x5] =	wrdreg s17  }
0x11: {  	s11 =	simm.s32 $0x3;
	s19 =	sadd.s32 $0xC000, s8;
	[dreg:$0x6] =	wrdreg s18  }
0x12: {  	s12 =	sshrl.u32 s16, $0x3;
	s20 =	sadd.s32 $0x10000, s8;
	[dreg:$0x7] =	wrdreg s19  }
0x13: {  	s25 =	sadd.s32 $0x180, s9;
	s16 =	sadd.s32 s6, s12;
	[dreg:$0x8] =	wrdreg s20  }
0x14: {  	s21 =	sadd.s32 $0x10, s12;
	s22 =	sadd.s32 s7, s12;
	[dreg:$0x9] =	wrdreg s16  }
0x15: {  	s24 =	sadd.s32 $0x4E0, s12;
	[dreg:$0xa] =	wrdreg s22;
	s23 =	sadd.s32 s6, s21  }
0x16: {  	s10 =	sadd.s32 s7, s21;
	s12 =	sadd.s32 s6, s24;
	s20 =	sadd.s32 $0x67400, s0  }
0x17: {  	s21 =	sadd.s32 s1, s26;
	s22 =	smax.u32 s14, $0x1;
	[dreg:$0xb] =	wrdreg s23  }
0x18: {  	s26 =	simm.s32 $0x200;
	s0 =	simm.s32 $0x8200;
	[dreg:$0xc] =	wrdreg s10  }
0x19: {  	s1 =	simm.s32 $0x180;
	[dreg:$0xd] =	wrdreg s12;
	s10 =	sadd.s32 s7, s24  }
0x1a: {  	s14 =	simm.s32 $0x0;
	s12 =	simm.s32 $0x4;
	[dreg:$0xe] =	wrdreg s10  }
0x1b: {  	s10 =	sshrl.u32 s25, $0x3;
	s25 =	sadd.s32 $0x100, s9;
	s9 =	simm.s32 $0x4200  }
0x1c: {  	v0 =	vimm.f32 $0.0e+00;
	v1 =	vimm.f32 $1.000000000e+00;
	s23 =	sadd.s32 s10, s7;
	s24 =	sadd.s32 s10, s6;
	s10 =	simm.s32 $0x2  }
.LBB2_1:
0x1d: {  	s15 =	sand.u32 $0xFE00, s4  }
0x1e: {  	s16 =	sand.u32 $0x70, s4;
	s17 =	sshrl.u32 s15, $0x2  }
0x1f: {  	s15 =	simm.s32 $0x40;
	s17 =	sor.u32 s16, s17;
	s16 =	simm.s32 $0x0  }
.LBB2_2:
0x20: {  	p0 =	sne.s32 s15, $0xFFC0  }
0x21: {  	[tilespmem:s17+$0x200] =	vst v0;
	s16 =	sadd.s32 $0x10, s16;
	s17 =	smov.u32 s15;
	s15 =	sadd.s32 $0x40, s15  }
.Ltmp0:
0x22: {  	(pc) =	sbr.rel @p0 .LBB2_2-.Ltmp0, $4  }
0x23: {  	_ = 	snop  }
0x24: {  	s17 =	sand.u32 $0xFE00, s17  }
0x25: {  	s18 =	sand.u32 $0x70, s16;
	s17 =	sshrl.u32 s17, $0x2  }
0x26: {  	s17 =	sor.u32 s18, s17  }
0x27: {  	[tilespmem:s17+$0x200] =	vst v0  }
0x28: {  	[spmem:s8] =	stream.linear.scatter [tilespmem:s26], [sflag:$0x5], $0x4000, $0x38;
	[tilespmem:$0x1C780] =	vst v63  }
0x29: {  	_ =	swait.ge [sflag:s28], $0x4000  }
0x2a: {  	[sflag:s28] =	ssyncset.done $0x0  }
0x2b: {  	s15 =	rddreg [dreg:$0x5];
	[sflag:s28] =	ssyncadd.s32 $0xFFFFC000  }
0x2c: {  	[spmem:s15] =	stream.linear.scatter [tilespmem:s26], [sflag:$0x5], $0x4000, $0x38;
	[tilespmem:$0x1C780] =	vst v63  }
0x2d: {  	_ =	swait.ge [sflag:s28], $0x4000  }
0x2e: {  	[sflag:s28] =	ssyncset.done $0x0  }
0x2f: {  	s19 =	rddreg [dreg:$0x6];
	[sflag:s28] =	ssyncadd.s32 $0xFFFFC000  }
0x30: {  	[spmem:s19] =	stream.linear.scatter [tilespmem:s26], [sflag:$0x5], $0x4000, $0x38;
	[tilespmem:$0x1C780] =	vst v63  }
0x31: {  	_ =	swait.ge [sflag:s28], $0x4000  }
0x32: {  	[sflag:s28] =	ssyncset.done $0x0  }
0x33: {  	s16 =	rddreg [dreg:$0x7];
	[sflag:s28] =	ssyncadd.s32 $0xFFFFC000  }
0x34: {  	[spmem:s16] =	stream.linear.scatter [tilespmem:s26], [sflag:$0x5], $0x4000, $0x38;
	[tilespmem:$0x1C780] =	vst v63  }
0x35: {  	_ =	swait.ge [sflag:s28], $0x4000  }
0x36: {  	[sflag:s28] =	ssyncset.done $0x0  }
0x37: {  	s17 =	rddreg [dreg:$0x8];
	[sflag:s28] =	ssyncadd.s32 $0xFFFFC000  }
0x38: {  	[spmem:s17] =	stream.linear.scatter [tilespmem:s26], [sflag:$0x5], $0x4000, $0x38;
	[tilespmem:$0x1C780] =	vst v63  }
0x39: {  	_ =	swait.ge [sflag:s28], $0x4000  }
0x3a: {  	[sflag:s28] =	ssyncset.done $0x0  }
0x3b: {  	[sflag:s28] =	ssyncadd.s32 $0xFFFFC000  }
0x3c: {  	[tilespmem:$0x8200] =	vst v1  }
0x3d: {  	[tilespmem:$0x8210] =	vst v1  }
0x3e: {  	[tilespmem:$0x8220] =	vst v1  }
0x3f: {  	[tilespmem:$0x8230] =	vst v1  }
0x40: {  	[tilespmem:$0x8240] =	vst v1  }
0x41: {  	[tilespmem:$0x8250] =	vst v1  }
0x42: {  	[tilespmem:$0x8260] =	vst v1  }
0x43: {  	[tilespmem:$0x8270] =	vst v1  }
0x44: {  	[tilespmem:$0x8280] =	vst v0  }
0x45: {  	[tilespmem:$0x8290] =	vst v0  }
0x46: {  	[tilespmem:$0x82A0] =	vst v0  }
0x47: {  	[tilespmem:$0x82B0] =	vst v0  }
0x48: {  	[tilespmem:$0x82C0] =	vst v0  }
0x49: {  	[tilespmem:$0x82D0] =	vst v0  }
0x4a: {  	[tilespmem:$0x82E0] =	vst v0  }
0x4b: {  	[tilespmem:$0x82F0] =	vst v0  }
0x4c: {  	[tilespmem:$0x8300] =	vst v0  }
0x4d: {  	[tilespmem:$0x8310] =	vst v0  }
0x4e: {  	[tilespmem:$0x8320] =	vst v0  }
0x4f: {  	[tilespmem:$0x8330] =	vst v0  }
0x50: {  	[tilespmem:$0x8340] =	vst v0  }
0x51: {  	[tilespmem:$0x8350] =	vst v0  }
0x52: {  	[tilespmem:$0x8360] =	vst v0  }
0x53: {  	[tilespmem:$0x8370] =	vst v0  }
0x54: {  	[tilespmem:$0x8380] =	vst v0  }
0x55: {  	[tilespmem:$0x8390] =	vst v0  }
0x56: {  	[tilespmem:$0x83A0] =	vst v0  }
0x57: {  	[tilespmem:$0x83B0] =	vst v0  }
0x58: {  	[tilespmem:$0x83C0] =	vst v0  }
0x59: {  	[tilespmem:$0x83D0] =	vst v0  }
0x5a: {  	[tilespmem:$0x83E0] =	vst v0  }
0x5b: {  	[tilespmem:$0x83F0] =	vst v0  }
0x5c: {  	[tilespmem:$0x8400] =	vst v0  }
0x5d: {  	[tilespmem:$0x8410] =	vst v0  }
0x5e: {  	[tilespmem:$0x8420] =	vst v0  }
0x5f: {  	[tilespmem:$0x8430] =	vst v0  }
0x60: {  	[tilespmem:$0x8440] =	vst v0  }
0x61: {  	[tilespmem:$0x8450] =	vst v0  }
0x62: {  	[tilespmem:$0x8460] =	vst v0  }
0x63: {  	[tilespmem:$0x8470] =	vst v0  }
0x64: {  	[tilespmem:$0x8480] =	vst v0  }
0x65: {  	[tilespmem:$0x8490] =	vst v0  }
0x66: {  	[tilespmem:$0x84A0] =	vst v0  }
0x67: {  	[tilespmem:$0x84B0] =	vst v0  }
0x68: {  	[tilespmem:$0x84C0] =	vst v0  }
0x69: {  	[tilespmem:$0x84D0] =	vst v0  }
0x6a: {  	[tilespmem:$0x84E0] =	vst v0  }
0x6b: {  	s18 =	simm.s32 $0x8280;
	[tilespmem:$0x84F0] =	vst v0  }
0x6c: {  	[spmem:s13] =	stream.linear.scatter [tilespmem:s18], [sflag:$0x5], $0x280, $0x38;
	[tilespmem:$0x1C780] =	vst v63  }
0x6d: {  	_ =	swait.ge [sflag:s28], $0x280  }
0x6e: {  	[sflag:s28] =	ssyncset.done $0x0  }
0x6f: {  	[sflag:s28] =	ssyncadd.s32 $0xFFFFFD80  }
0x70: {  	[bflag:$0x0] =	sbarrier.arrive $0xFFFF  }
0x71: {  	s15 =	simm.s32 $0x0;
	s16 =	rddreg [dreg:$0x9]  }
0x72: {  	[tilespmem:s15], [sflag:$0x5] =	stream.linear.gather [hbm4b:s16+s15], $0x80, $0x38;
	[tilespmem:$0x1C780] =	vst v63  }
0x73: {  	_ =	swait.ge [sflag:s28], $0x80  }
0x74: {  	[sflag:s28] =	ssyncset.done $0x0  }
0x75: {  	s19 =	rddreg [dreg:$0xa];
	[sflag:s28] =	ssyncadd.s32 $0xFFFFFF80  }
0x76: {  	[tilespmem:s30], [sflag:$0x5] =	stream.linear.gather [hbm4b:s19+s15], $0x80, $0x38;
	[tilespmem:$0x1C780] =	vst v63  }
0x77: {  	_ =	swait.ge [sflag:s28], $0x80  }
0x78: {  	[sflag:s28] =	ssyncset.done $0x0  }
0x79: {  	[sflag:s28] =	ssyncadd.s32 $0xFFFFFF80  }
0x7a: {  	[tilespmem:s26], [sflag:$0x1] =	stream.indirect.gather [hbm4b:s5+s30], $0x80, s15, s30, $0xb8;
	[tilespmem:$0x1C780] =	vst v63  }
0x7b: {  	_ =	swait.ge [sflag:s31], $0x4000  }
0x7c: {  	[sflag:s31] =	ssyncset.done $0x0  }
0x7d: {  	[sflag:s31] =	ssyncadd.s32 $0xFFFFC000  }
0x7e: {  	[spmem:s2] =	stream.indirect.scatter.add.f32 [tilespmem:s26], [sflag:$0x3], $0x80, s30, s30, $0xb8;
	[tilespmem:$0x1C780] =	vst v63  }
0x7f: {  	_ = 	snop  }
0x80: {  	[spmem:s3] =	stream.indirect.scatter.add.f32 [tilespmem:s0], [sflag:$0x3], $0x1, s30, s30, $0xb8;
	[tilespmem:$0x1C780] =	vst v63  }
0x81: {  	s17 =	rddreg [dreg:$0xb]  }
0x82: {  	[tilespmem:s29], [sflag:$0x5] =	stream.linear.gather [hbm4b:s17+s15], $0x80, $0x38;
	[tilespmem:$0x1C780] =	vst v63  }
0x83: {  	_ =	swait.ge [sflag:s28], $0x80  }
0x84: {  	[sflag:s28] =	ssyncset.done $0x0  }
0x85: {  	s18 =	rddreg [dreg:$0xc];
	[sflag:s28] =	ssyncadd.s32 $0xFFFFFF80  }
0x86: {  	[tilespmem:s1], [sflag:$0x5] =	stream.linear.gather [hbm4b:s18+s15], $0x80, $0x38;
	[tilespmem:$0x1C780] =	vst v63  }
0x87: {  	_ =	swait.ge [sflag:s28], $0x80  }
0x88: {  	[sflag:s28] =	ssyncset.done $0x0  }
0x89: {  	[sflag:s28] =	ssyncadd.s32 $0xFFFFFF80  }
0x8a: {  	[tilespmem:s9], [sflag:$0x2] =	stream.indirect.gather [hbm4b:s5+s30], $0x80, s29, s30, $0xb8;
	[tilespmem:$0x1C780] =	vst v63  }
0x8b: {  	_ =	swait.ge [sflag:s10], $0x4000  }
0x8c: {  	[sflag:s10] =	ssyncset.done $0x0  }
0x8d: {  	[sflag:s10] =	ssyncadd.s32 $0xFFFFC000  }
0x8e: {  	[spmem:s2] =	stream.indirect.scatter.add.f32 [tilespmem:s9], [sflag:$0x4], $0x80, s1, s30, $0xb8;
	[tilespmem:$0x1C780] =	vst v63  }
0x8f: {  	_ = 	snop  }
0x90: {  	[spmem:s3] =	stream.indirect.scatter.add.f32 [tilespmem:s0], [sflag:$0x4], $0x1, s1, s30, $0xb8;
	[tilespmem:$0x1C780] =	vst v63  }
0x91: {  	_ =	swait.ge [sflag:s11], $0x4000  }
0x92: {  	[sflag:s11] =	ssyncset.done $0x0  }
0x93: {  	[sflag:s11] =	ssyncadd.s32 $0xFFFFC000  }
0x94: {  	_ =	swait.ge [sflag:s11], $0x80  }
0x95: {  	s19 =	sshrl.u32 s25, $0x3;
	[sflag:s11] =	ssyncset.done $0x0  }
0x96: {  	s17 =	sadd.s32 s6, s19;
	[sflag:s11] =	ssyncadd.s32 $0xFFFFFF80  }
0x97: {  	[tilespmem:s4], [sflag:$0x5] =	stream.linear.gather [hbm4b:s17+s4], $0x80, $0x38;
	[tilespmem:$0x1C780] =	vst v63  }
0x98: {  	_ =	swait.ge [sflag:s28], $0x80  }
0x99: {  	[sflag:s28] =	ssyncset.done $0x0  }
0x9a: {  	s15 =	sadd.s32 s7, s19;
	[sflag:s28] =	ssyncadd.s32 $0xFFFFFF80  }
0x9b: {  	[tilespmem:s30], [sflag:$0x5] =	stream.linear.gather [hbm4b:s15+s4], $0x80, $0x38;
	[tilespmem:$0x1C780] =	vst v63  }
0x9c: {  	_ =	swait.ge [sflag:s28], $0x80  }
0x9d: {  	[sflag:s28] =	ssyncset.done $0x0  }
0x9e: {  	[sflag:s28] =	ssyncadd.s32 $0xFFFFFF80  }
0x9f: {  	[tilespmem:s26], [sflag:$0x1] =	stream.indirect.gather [hbm4b:s5+s30], $0x80, s4, s30, $0xb8;
	[tilespmem:$0x1C780] =	vst v63  }
0xa0: {  	_ =	swait.ge [sflag:s31], $0x4000  }
0xa1: {  	[sflag:s31] =	ssyncset.done $0x0  }
0xa2: {  	[sflag:s31] =	ssyncadd.s32 $0xFFFFC000  }
0xa3: {  	[spmem:s2] =	stream.indirect.scatter.add.f32 [tilespmem:s26], [sflag:$0x3], $0x80, s30, s30, $0xb8;
	[tilespmem:$0x1C780] =	vst v63  }
0xa4: {  	_ = 	snop  }
0xa5: {  	[spmem:s3] =	stream.indirect.scatter.add.f32 [tilespmem:s0], [sflag:$0x3], $0x1, s30, s30, $0xb8;
	[tilespmem:$0x1C780] =	vst v63  }
0xa6: {  	_ =	swait.ge [sflag:s12], $0x4000  }
0xa7: {  	[sflag:s12] =	ssyncset.done $0x0  }
0xa8: {  	[sflag:s12] =	ssyncadd.s32 $0xFFFFC000  }
0xa9: {  	_ =	swait.ge [sflag:s12], $0x80  }
0xaa: {  	[sflag:s12] =	ssyncset.done $0x0  }
0xab: {  	s18 =	sadd.s32 $0x0, s24;
	[sflag:s12] =	ssyncadd.s32 $0xFFFFFF80  }
0xac: {  	[tilespmem:s29], [sflag:$0x5] =	stream.linear.gather [hbm4b:s18+s4], $0x80, $0x38;
	[tilespmem:$0x1C780] =	vst v63  }
0xad: {  	_ =	swait.ge [sflag:s28], $0x80  }
0xae: {  	[sflag:s28] =	ssyncset.done $0x0  }
0xaf: {  	s19 =	sadd.s32 $0x0, s23;
	[sflag:s28] =	ssyncadd.s32 $0xFFFFFF80  }
0xb0: {  	[tilespmem:s1], [sflag:$0x5] =	stream.linear.gather [hbm4b:s19+s4], $0x80, $0x38;
	[tilespmem:$0x1C780] =	vst v63  }
0xb1: {  	_ =	swait.ge [sflag:s28], $0x80  }
0xb2: {  	[sflag:s28] =	ssyncset.done $0x0  }
0xb3: {  	s16 =	sadd.s32 $0x100, s25;
	s15 =	simm.s32 $0x20;
	[sflag:s28] =	ssyncadd.s32 $0xFFFFFF80  }
.LBB2_4:
0xb4: {  	[tilespmem:s9], [sflag:$0x2] =	stream.indirect.gather [hbm4b:s5+s30], $0x80, s29, s30, $0xb8;
	[tilespmem:$0x1C780] =	vst v63  }
0xb5: {  	s17 =	smov.u32 s15  }
0xb6: {  	p0 =	sne.s32 s15, $0x4A0;
	s15 =	sadd.s32 $0x20, s15;
	_ =	swait.ge [sflag:s10], $0x4000  }
0xb7: {  	[sflag:s10] =	ssyncset.done $0x0  }
0xb8: {  	[sflag:s10] =	ssyncadd.s32 $0xFFFFC000  }
0xb9: {  	[spmem:s2] =	stream.indirect.scatter.add.f32 [tilespmem:s9], [sflag:$0x4], $0x80, s1, s30, $0xb8;
	[tilespmem:$0x1C780] =	vst v63  }
0xba: {  	_ = 	snop  }
0xbb: {  	[spmem:s3] =	stream.indirect.scatter.add.f32 [tilespmem:s0], [sflag:$0x4], $0x1, s1, s30, $0xb8;
	[tilespmem:$0x1C780] =	vst v63  }
0xbc: {  	_ =	swait.ge [sflag:s11], $0x4000  }
0xbd: {  	[sflag:s11] =	ssyncset.done $0x0  }
0xbe: {  	[sflag:s11] =	ssyncadd.s32 $0xFFFFC000  }
0xbf: {  	_ =	swait.ge [sflag:s11], $0x80  }
0xc0: {  	s18 =	sshrl.u32 s16, $0x3;
	[sflag:s11] =	ssyncset.done $0x0  }
0xc1: {  	s19 =	sadd.s32 s6, s18;
	[sflag:s11] =	ssyncadd.s32 $0xFFFFFF80  }
0xc2: {  	[tilespmem:s4], [sflag:$0x5] =	stream.linear.gather [hbm4b:s19+s4], $0x80, $0x38;
	[tilespmem:$0x1C780] =	vst v63  }
0xc3: {  	_ =	swait.ge [sflag:s28], $0x80  }
0xc4: {  	[sflag:s28] =	ssyncset.done $0x0  }
0xc5: {  	s18 =	sadd.s32 s7, s18;
	[sflag:s28] =	ssyncadd.s32 $0xFFFFFF80  }
0xc6: {  	[tilespmem:s30], [sflag:$0x5] =	stream.linear.gather [hbm4b:s18+s4], $0x80, $0x38;
	[tilespmem:$0x1C780] =	vst v63  }
0xc7: {  	_ =	swait.ge [sflag:s28], $0x80  }
0xc8: {  	[sflag:s28] =	ssyncset.done $0x0  }
0xc9: {  	[sflag:s28] =	ssyncadd.s32 $0xFFFFFF80  }
0xca: {  	[tilespmem:s26], [sflag:$0x1] =	stream.indirect.gather [hbm4b:s5+s30], $0x80, s4, s30, $0xb8;
	[tilespmem:$0x1C780] =	vst v63  }
0xcb: {  	_ =	swait.ge [sflag:s31], $0x4000  }
0xcc: {  	[sflag:s31] =	ssyncset.done $0x0  }
0xcd: {  	[sflag:s31] =	ssyncadd.s32 $0xFFFFC000  }
0xce: {  	[spmem:s2] =	stream.indirect.scatter.add.f32 [tilespmem:s26], [sflag:$0x3], $0x80, s30, s30, $0xb8;
	[tilespmem:$0x1C780] =	vst v63  }
0xcf: {  	_ = 	snop  }
0xd0: {  	[spmem:s3] =	stream.indirect.scatter.add.f32 [tilespmem:s0], [sflag:$0x3], $0x1, s30, s30, $0xb8;
	[tilespmem:$0x1C780] =	vst v63  }
0xd1: {  	_ =	swait.ge [sflag:s12], $0x4000  }
0xd2: {  	[sflag:s12] =	ssyncset.done $0x0  }
0xd3: {  	[sflag:s12] =	ssyncadd.s32 $0xFFFFC000  }
0xd4: {  	_ =	swait.ge [sflag:s12], $0x80  }
0xd5: {  	[sflag:s12] =	ssyncset.done $0x0  }
0xd6: {  	s18 =	sadd.s32 s17, s24;
	[sflag:s12] =	ssyncadd.s32 $0xFFFFFF80  }
0xd7: {  	[tilespmem:s29], [sflag:$0x5] =	stream.linear.gather [hbm4b:s18+s4], $0x80, $0x38;
	[tilespmem:$0x1C780] =	vst v63  }
0xd8: {  	_ =	swait.ge [sflag:s28], $0x80  }
0xd9: {  	[sflag:s28] =	ssyncset.done $0x0  }
.Ltmp1:
0xda: {  	s17 =	sadd.s32 s17, s23;
	[sflag:s28] =	ssyncadd.s32 $0xFFFFFF80;
	(pc) =	sbr.rel @p0 .LBB2_4-.Ltmp1, $4  }
0xdb: {  	[tilespmem:s1], [sflag:$0x5] =	stream.linear.gather [hbm4b:s17+s4], $0x80, $0x38;
	[tilespmem:$0x1C780] =	vst v63  }
0xdc: {  	_ =	swait.ge [sflag:s28], $0x80  }
0xdd: {  	[sflag:s28] =	ssyncset.done $0x0  }
0xde: {  	s16 =	sadd.s32 $0x100, s16;
	[sflag:s28] =	ssyncadd.s32 $0xFFFFFF80  }
0xdf: {  	[tilespmem:s9], [sflag:$0x2] =	stream.indirect.gather [hbm4b:s5+s30], $0x80, s29, s30, $0xb8;
	[tilespmem:$0x1C780] =	vst v63  }
0xe0: {  	_ =	swait.ge [sflag:s10], $0x4000  }
0xe1: {  	[sflag:s10] =	ssyncset.done $0x0  }
0xe2: {  	[sflag:s10] =	ssyncadd.s32 $0xFFFFC000  }
0xe3: {  	[spmem:s2] =	stream.indirect.scatter.add.f32 [tilespmem:s9], [sflag:$0x4], $0x80, s1, s30, $0xb8;
	[tilespmem:$0x1C780] =	vst v63  }
0xe4: {  	_ = 	snop  }
0xe5: {  	[spmem:s3] =	stream.indirect.scatter.add.f32 [tilespmem:s0], [sflag:$0x4], $0x1, s1, s30, $0xb8;
	[tilespmem:$0x1C780] =	vst v63  }
0xe6: {  	_ =	swait.ge [sflag:s11], $0x4000  }
0xe7: {  	[sflag:s11] =	ssyncset.done $0x0  }
0xe8: {  	[sflag:s11] =	ssyncadd.s32 $0xFFFFC000  }
0xe9: {  	_ =	swait.ge [sflag:s11], $0x80  }
0xea: {  	[sflag:s11] =	ssyncset.done $0x0  }
0xeb: {  	s15 =	rddreg [dreg:$0xd];
	[sflag:s11] =	ssyncadd.s32 $0xFFFFFF80  }
0xec: {  	[tilespmem:s4], [sflag:$0x5] =	stream.linear.gather [hbm4b:s15+s4], $0x80, $0x38;
	[tilespmem:$0x1C780] =	vst v63  }
0xed: {  	_ =	swait.ge [sflag:s28], $0x80  }
0xee: {  	[sflag:s28] =	ssyncset.done $0x0  }
0xef: {  	s17 =	rddreg [dreg:$0xe];
	[sflag:s28] =	ssyncadd.s32 $0xFFFFFF80  }
0xf0: {  	[tilespmem:s30], [sflag:$0x5] =	stream.linear.gather [hbm4b:s17+s4], $0x80, $0x38;
	[tilespmem:$0x1C780] =	vst v63  }
0xf1: {  	_ =	swait.ge [sflag:s28], $0x80  }
0xf2: {  	[sflag:s28] =	ssyncset.done $0x0  }
0xf3: {  	[sflag:s28] =	ssyncadd.s32 $0xFFFFFF80  }
0xf4: {  	[tilespmem:s26], [sflag:$0x1] =	stream.indirect.gather [hbm4b:s5+s30], $0x80, s4, s30, $0xb8;
	[tilespmem:$0x1C780] =	vst v63  }
0xf5: {  	_ =	swait.ge [sflag:s31], $0x4000  }
0xf6: {  	[sflag:s31] =	ssyncset.done $0x0  }
0xf7: {  	[sflag:s31] =	ssyncadd.s32 $0xFFFFC000  }
0xf8: {  	[spmem:s2] =	stream.indirect.scatter.add.f32 [tilespmem:s26], [sflag:$0x3], $0x80, s30, s30, $0xb8;
	[tilespmem:$0x1C780] =	vst v63  }
0xf9: {  	_ = 	snop  }
0xfa: {  	[spmem:s3] =	stream.indirect.scatter.add.f32 [tilespmem:s0], [sflag:$0x3], $0x1, s30, s30, $0xb8;
	[tilespmem:$0x1C780] =	vst v63  }
0xfb: {  	_ =	swait.ge [sflag:s11], $0x4000  }
0xfc: {  	[sflag:s11] =	ssyncset.done $0x0  }
0xfd: {  	[sflag:s11] =	ssyncadd.s32 $0xFFFFC000  }
0xfe: {  	_ =	swait.ge [sflag:s11], $0x80  }
0xff: {  	[sflag:s11] =	ssyncset.done $0x0  }
0x100: {  	[sflag:s11] =	ssyncadd.s32 $0xFFFFFF80  }
0x101: {  	_ =	swait.ge [sflag:s12], $0x4000  }
0x102: {  	[sflag:s12] =	ssyncset.done $0x0  }
0x103: {  	[sflag:s12] =	ssyncadd.s32 $0xFFFFC000  }
0x104: {  	_ =	swait.ge [sflag:s12], $0x80  }
0x105: {  	s18 =	stileid.u32;
	[sflag:s12] =	ssyncset.done $0x0  }
0x106: {  	s15 =	sshll.u32 s18, $0x6;
	[sflag:s12] =	ssyncadd.s32 $0xFFFFFF80  }
0x107: {  	s16 =	sshrl.u32 s8, $0x3;
	s15 =	sor.u32 $0x1C05, s15;
	[bflag:$0x0] =	sbarrier.arrive $0xFFFF  }
0x108: {  	[hbm:s20], [sflag:s15] =	dma.local [spmem:s16], $0x2800  }
0x109: {  	s14 =	sadd.s32 $0x1, s14;
	_ =	swait.ge [sflag:s28], $0x2800  }
0x10a: {  	p0 =	sne.s32 s14, s22;
	[sflag:s28] =	ssyncset.done $0x0  }
.Ltmp2:
0x10b: {  	s19 =	sshrl.u32 s13, $0x3;
	[sflag:s28] =	ssyncadd.s32 $0xFFFFD800;
	(pc) =	sbr.rel @p0 .LBB2_1-.Ltmp2, $4  }
0x10c: {  	[hbm:s21], [sflag:s15] =	dma.local [spmem:s19], $0x50  }
0x10d: {  	_ =	swait.ge [sflag:s28], $0x50  }
0x10e: {  	[sflag:s28] =	ssyncset.done $0x0  }
0x10f: {  	[sflag:s28] =	ssyncadd.s32 $0xFFFFFFB0  }
0x110: {  	_ =	sfence.sel $0x180000  }
0x111: {  	[bflag:$0x0] =	sbarrier.arrive $0xFFFF  }
0x112: {  	_ =	strace $0x90000047  }
0x113: {  	s0 =	stileid.u32;
	[bflag:$0x2] =	sbarrier.arrive $0xFFFF  }
0x114: {  	p0 =	sne.s32 s0, $0x0;
	s0 =	rddreg [dreg:$0x4]  }
0x115: {  	s0 =	sadd.s32 @!p0 $0x100000, s0  }
0x116: {  	[sflag:s0] =	ssyncadd.tile.s32 @!p0 $0x1;
	_ =	shalt  }
.Lfunc_end2:
_tile_overlayer_lowered:
.L_overlay_start_2:
0x117: {  	(tag) =	ssettag $0x2  }
0x118: {  	s0 =	rddreg [dreg:$0x0];
	s2 =	stileid.u32  }
0x119: {  	s1 =	rddreg [dreg:$0x1];
	p0 =	sne.s32 s2, $0x0  }
0x11a: {  	s3 =	rddreg [dreg:$0x2];
	[bflag:$0x3] =	sbarrier.arrive $0xFFFF;
	s2 =	simm.s32 @!p0 $0x1C05  }
0x11b: {  	[timem:s3], [sflag:s2] =	dma.local @!p0 [hbm:s0], s1  }
0x11c: {  	s0 =	simm.s32 @!p0 $0x5  }
0x11d: {  	_ =	swait.ge @!p0 [sflag:s0], s1  }
0x11e: {  	s1 =	ssub.s32 @!p0 $0x0, s1;
	[sflag:s0] =	ssyncset.done @!p0 $0x0  }
0x11f: {  	[sflag:s0] =	ssyncadd.s32 @!p0 s1  }
0x120: {  	[bflag:$0x3] =	sbarrier.arrive $0xFFFF  }
0x121: {  	_ =	shalt  }

</sc_bundles>
